<compile_context>
chip_gen: v7x
topology: tpu7x:2x2x1
jax: 0.10.2.dev20260603
libtpu: 0.0.44.dev20260713+nightly
codegen_flags: <defaults>
</compile_context>

<pallas_src>
import functools

import jax
import jax.numpy as jnp
from jax import lax
from jax.experimental import pallas as pl
from jax.experimental.pallas import tpu as pltpu
from jax.experimental.pallas import tpu_sc as plsc

B, N, L = 1024, 26, 20
VOCAB, D = 128, 128
TOT = B * N * L
NC, NS = 2, 16
NW = NC * NS
PER_W = TOT // NW
CHUNK = 128
NCHUNK = PER_W // CHUNK
NBUF = 5
GROUPS = NCHUNK // NBUF
COMPUTE_BUFS = (2,)
LANES = 16

_mesh = plsc.VectorSubcoreMesh(core_axis_name="c", subcore_axis_name="s")


@functools.partial(
    pl.kernel,
    mesh=_mesh,
    out_type=jax.ShapeDtypeStruct((TOT, D), jnp.float32),
    scratch_types=(
        [pltpu.VMEM((NCHUNK, CHUNK), jnp.int32)]
        + [pltpu.VMEM((CHUNK, D), jnp.float32) for _ in range(NBUF)]
        + [pltpu.SemaphoreType.DMA for _ in range(2 * NBUF)]
        + [pltpu.VMEM_SHARED((VOCAB, D), jnp.float32)]
        + [pltpu.VMEM((VOCAB, D), jnp.float32)]
    ),
    compiler_params=pltpu.CompilerParams(needs_layout_passes=False),
)
def _embed(table_hbm, idx_hbm, out_hbm, idx_v, *rest):
    rows = rest[:NBUF]
    sem_g = rest[NBUF:2 * NBUF]
    sem_s = rest[2 * NBUF:3 * NBUF]
    table_sh = rest[3 * NBUF]
    table_v = rest[3 * NBUF + 1]
    wid = lax.axis_index("s") * NC + lax.axis_index("c")
    base = wid * PER_W

    @pl.when(lax.axis_index("s") == 0)
    def _stage():
        pltpu.sync_copy(table_hbm, table_sh)

    pltpu.sync_copy(table_hbm, table_v)
    plsc.subcore_barrier()

    def gather(chunk, b):
        pltpu.async_copy(table_sh.at[idx_v.at[chunk]], rows[b], sem_g[b])

    def gather_wait(b):
        pltpu.make_async_copy(table_sh.at[idx_v.at[0]], rows[b], sem_g[b]).wait()

    def store(chunk, b):
        dst = out_hbm.at[pl.ds(base + chunk * CHUNK, CHUNK)]
        pltpu.async_copy(rows[b], dst, sem_s[b])

    def store_wait(b):
        dst = out_hbm.at[pl.ds(base, CHUNK)]
        pltpu.make_async_copy(rows[b], dst, sem_s[b]).wait()

    def compute_gather(chunk, b):
        iota = lax.iota(jnp.int32, LANES)
        chv = lax.broadcast(chunk, (LANES,))
        njb = CHUNK // LANES

        @plsc.parallel_loop(0, (D // LANES) * njb, unroll=4)
        def _tile_loop(t):
            c0 = t // njb
            jb = t % njb
            cb = lax.broadcast(c0 * LANES, (LANES,))
            rid = jb * LANES + iota
            idxv = plsc.load_gather(idx_v, [chv, rid])
            for sh in range(LANES):
                col = ((iota + sh) & (LANES - 1)) + cb
                vals = plsc.load_gather(table_v, [idxv, col])
                plsc.store_scatter(rows[b], [rid, col], vals)

    pltpu.sync_copy(idx_hbm.at[wid], idx_v)
    for b in range(NBUF):
        if b not in COMPUTE_BUFS:
            gather(b, b)

    def body(g, carry):
        for b in range(NBUF):
            j = g * NBUF + b
            bp = (b - 1) % NBUF
            if bp not in COMPUTE_BUFS:
                if b == 0:
                    can_refill = g >= 1
                else:
                    can_refill = g <= GROUPS - 2
                @pl.when(can_refill)
                def _refill(bp=bp, chunk=j + NBUF - 1):
                    store_wait(bp)
                    gather(chunk, bp)
            if b in COMPUTE_BUFS:
                @pl.when(g >= 1)
                def _w(b=b):
                    store_wait(b)
                compute_gather(j, b)
            else:
                gather_wait(b)
            store(j, b)
        return carry

    lax.fori_loop(0, GROUPS, body, 0)
    for b in range(NBUF):
        store_wait(b)


def kernel(input_feature, table):
    idx_t = jnp.transpose(input_feature, (1, 2, 0))
    idx = idx_t.reshape(NW, NCHUNK, CHUNK).astype(jnp.int32)
    out = _embed(table, idx)
    return out.reshape(N, L, B, D).transpose(2, 0, 1, 3)

# --- scband reference (transcript-rebuilt; emitter-appended) ---
"""Pipeline reference for scband-position-embedding-2327872274590 (READ-ONLY COPY).

The authoritative reference and input builder live on the scoring server;
editing this copy changes nothing except your own understanding.
"""

import jax, jax.numpy as jnp
import numpy as np

VOCAB = 128
EMBED_DIM = 128
B, N, L = 1024, 26, 20

def setup_inputs(seed: int = 0) -> dict:
    key = jax.random.key(seed)
    k_idx, k_tab = jax.random.split(key)
    input_feature = jax.random.randint(k_idx, (B, N, L), 0, VOCAB, dtype=jnp.int64 if jax.config.jax_enable_x64 else jnp.int32)
    table = jax.random.normal(k_tab, (VOCAB, EMBED_DIM), dtype=jnp.float32)
    return {"input_feature": input_feature, "table": table}

def reference(input_feature, table):
    # nn.Embedding lookup: [B, N, L] -> [B, N, L, D]
    embed_vector = jnp.take(table, input_feature, axis=0)
    # dropout with p=0.0 is identity
    return embed_vector

if __name__ == "__main__":
    import jax
    _d = setup_inputs()
    print(jax.jit(kernel)(*tuple(_d.values())))

</pallas_src>

<mosaic_0001>
#map = affine_map<(d0, d1) -> (0, 0)>
#map1 = affine_map<(d0, d1) -> (0, 0, 0)>
module attributes {stable_mosaic.version = 14 : i64} {
  func.func @_embed(%arg0: i32, %arg1: i32, %arg2: memref<128x128xf32, #tpu.memory_space<hbm>>, %arg3: memref<32x130x128xi32, #tpu.memory_space<hbm>>, %arg4: memref<532480x128xf32, #tpu.memory_space<hbm>>, %arg5: memref<130x128xi32, #tpu.memory_space<vmem>>, %arg6: memref<128x128xf32, #tpu.memory_space<vmem>>, %arg7: memref<128x128xf32, #tpu.memory_space<vmem>>, %arg8: memref<128x128xf32, #tpu.memory_space<vmem>>, %arg9: memref<128x128xf32, #tpu.memory_space<vmem>>, %arg10: memref<128x128xf32, #tpu.memory_space<vmem>>, %arg11: memref<!tpu.dma_semaphore, #tpu.memory_space<semaphore_mem>>, %arg12: memref<!tpu.dma_semaphore, #tpu.memory_space<semaphore_mem>>, %arg13: memref<!tpu.dma_semaphore, #tpu.memory_space<semaphore_mem>>, %arg14: memref<!tpu.dma_semaphore, #tpu.memory_space<semaphore_mem>>, %arg15: memref<!tpu.dma_semaphore, #tpu.memory_space<semaphore_mem>>, %arg16: memref<!tpu.dma_semaphore, #tpu.memory_space<semaphore_mem>>, %arg17: memref<!tpu.dma_semaphore, #tpu.memory_space<semaphore_mem>>, %arg18: memref<!tpu.dma_semaphore, #tpu.memory_space<semaphore_mem>>, %arg19: memref<!tpu.dma_semaphore, #tpu.memory_space<semaphore_mem>>, %arg20: memref<!tpu.dma_semaphore, #tpu.memory_space<semaphore_mem>>, %arg21: memref<128x128xf32, #tpu.memory_space<vmem_shared>>, %arg22: memref<128x128xf32, #tpu.memory_space<vmem>>) attributes {dimension_semantics = [#tpu.dimension_semantics<core_parallel>, #tpu.dimension_semantics<subcore_parallel>], iteration_bounds = array<i64: 2, 16>, scalar_prefetch = 0 : i64, scratch_operands = 18 : i64, tpu.core_type = #tpu.core_type<sc_vector_subcore>, window_params = [{transform_indices = #map}, {transform_indices = #map1}, {transform_indices = #map}]} {
    %mul3A = arith.constant 2 : i32
    %mul3A_0 = arith.muli %arg1, %mul3A : i32
    %add3A = arith.addi %mul3A_0, %arg0 : i32
    %mul3A_1 = arith.constant 16640 : i32
    %mul3A_2 = arith.muli %add3A, %mul3A_1 : i32
    %eq3A = arith.constant 0 : i32
    %eq3A_3 = arith.cmpi eq, %arg1, %eq3A : i32
    %convert_element_type3A = arith.extui %eq3A_3 : i1 to i32
    %cond3A = arith.constant 0 : i32
    %cond3A_4 = arith.cmpi ne, %convert_element_type3A, %cond3A : i32
    scf.if %cond3A_4 {
      "tpu.region"() ({
        %run_scoped3A = tpu.sem_alloc : memref<!tpu.dma_semaphore, #tpu.memory_space<semaphore_mem>>
        tpu.enqueue_dma source(%arg2 : memref<128x128xf32, #tpu.memory_space<hbm>>) target(%arg21 : memref<128x128xf32, #tpu.memory_space<vmem_shared>>) target_semaphore(%run_scoped3A : memref<!tpu.dma_semaphore, #tpu.memory_space<semaphore_mem>>)
        tpu.wait_dma2 semaphore(%run_scoped3A : memref<!tpu.dma_semaphore, #tpu.memory_space<semaphore_mem>>) src(%arg2 : memref<128x128xf32, #tpu.memory_space<hbm>>) dst(%arg21 : memref<128x128xf32, #tpu.memory_space<vmem_shared>>)
        tpu.yield
      }) : () -> ()
    } else {
    }
    "tpu.region"() ({
      %run_scoped3A = tpu.sem_alloc : memref<!tpu.dma_semaphore, #tpu.memory_space<semaphore_mem>>
      tpu.enqueue_dma source(%arg2 : memref<128x128xf32, #tpu.memory_space<hbm>>) target(%arg22 : memref<128x128xf32, #tpu.memory_space<vmem>>) target_semaphore(%run_scoped3A : memref<!tpu.dma_semaphore, #tpu.memory_space<semaphore_mem>>)
      tpu.wait_dma2 semaphore(%run_scoped3A : memref<!tpu.dma_semaphore, #tpu.memory_space<semaphore_mem>>) src(%arg2 : memref<128x128xf32, #tpu.memory_space<hbm>>) dst(%arg22 : memref<128x128xf32, #tpu.memory_space<vmem>>)
      tpu.yield
    }) : () -> ()
    %barrier3A = arith.constant 0 : index
    tpu.barrier barrier_id(%barrier3A)
    "tpu.region"() ({
      %run_scoped3A = tpu.sem_alloc : memref<!tpu.dma_semaphore, #tpu.memory_space<semaphore_mem>>
      %dma_start3A_56 = arith.constant 0 : i32
      %dma_start3A_57 = arith.constant 0 : i32
      %dma_start3A_58 = tpu.memref_slice %arg3[%add3A, %dma_start3A_56, %dma_start3A_57] : memref<32x130x128xi32, #tpu.memory_space<hbm>> -> memref<1x130x128xi32, #tpu.memory_space<hbm>>
      %dma_start3A_59 = tpu.memref_squeeze %dma_start3A_58 : memref<1x130x128xi32, #tpu.memory_space<hbm>> -> memref<130x128xi32, #tpu.memory_space<hbm>>
      %dma_start3A_60 = arith.constant 0 : i32
      %dma_start3A_61 = arith.constant 0 : i32
      %dma_start3A_62 = tpu.memref_slice %arg3[%add3A, %dma_start3A_60, %dma_start3A_61] : memref<32x130x128xi32, #tpu.memory_space<hbm>> -> memref<1x130x128xi32, #tpu.memory_space<hbm>>
      %dma_start3A_63 = tpu.memref_squeeze %dma_start3A_62 : memref<1x130x128xi32, #tpu.memory_space<hbm>> -> memref<130x128xi32, #tpu.memory_space<hbm>>
      tpu.enqueue_dma source(%dma_start3A_63 : memref<130x128xi32, #tpu.memory_space<hbm>>) target(%arg5 : memref<130x128xi32, #tpu.memory_space<vmem>>) target_semaphore(%run_scoped3A : memref<!tpu.dma_semaphore, #tpu.memory_space<semaphore_mem>>)
      %dma_wait3A_64 = arith.constant 0 : i32
      %dma_wait3A_65 = arith.constant 0 : i32
      %dma_wait3A_66 = tpu.memref_slice %arg3[%add3A, %dma_wait3A_64, %dma_wait3A_65] : memref<32x130x128xi32, #tpu.memory_space<hbm>> -> memref<1x130x128xi32, #tpu.memory_space<hbm>>
      %dma_wait3A_67 = tpu.memref_squeeze %dma_wait3A_66 : memref<1x130x128xi32, #tpu.memory_space<hbm>> -> memref<130x128xi32, #tpu.memory_space<hbm>>
      %dma_wait3A_68 = arith.constant 0 : i32
      %dma_wait3A_69 = arith.constant 0 : i32
      %dma_wait3A_70 = tpu.memref_slice %arg3[%add3A, %dma_wait3A_68, %dma_wait3A_69] : memref<32x130x128xi32, #tpu.memory_space<hbm>> -> memref<1x130x128xi32, #tpu.memory_space<hbm>>
      %dma_wait3A_71 = tpu.memref_squeeze %dma_wait3A_70 : memref<1x130x128xi32, #tpu.memory_space<hbm>> -> memref<130x128xi32, #tpu.memory_space<hbm>>
      tpu.wait_dma2 semaphore(%run_scoped3A : memref<!tpu.dma_semaphore, #tpu.memory_space<semaphore_mem>>) src(%dma_wait3A_71 : memref<130x128xi32, #tpu.memory_space<hbm>>) dst(%arg5 : memref<130x128xi32, #tpu.memory_space<vmem>>)
      tpu.yield
    }) : () -> ()
    %dma_start3A = arith.constant 0 : i32
    %dma_start3A_5 = arith.constant 0 : i32
    %dma_start3A_6 = tpu.memref_slice %arg5[%dma_start3A, %dma_start3A_5] : memref<130x128xi32, #tpu.memory_space<vmem>> -> memref<1x128xi32, #tpu.memory_space<vmem>>
    %dma_start3A_7 = tpu.memref_squeeze %dma_start3A_6 : memref<1x128xi32, #tpu.memory_space<vmem>> -> memref<128xi32, #tpu.memory_space<vmem>>
    %dma_start3A_8 = arith.constant 0 : i32
    %dma_start3A_9 = arith.constant 0 : i32
    %dma_start3A_10 = tpu.memref_slice %arg21[%dma_start3A_8, %dma_start3A_9] : memref<128x128xf32, #tpu.memory_space<vmem_shared>> -> memref<128x128xf32, #tpu.memory_space<vmem_shared>>
    tpu.enqueue_indirect_dma source(%dma_start3A_10 : memref<128x128xf32, #tpu.memory_space<vmem_shared>>) target(%arg6 : memref<128x128xf32, #tpu.memory_space<vmem>>) offsets(%dma_start3A_7 : memref<128xi32, #tpu.memory_space<vmem>>) semaphore(%arg11 : memref<!tpu.dma_semaphore, #tpu.memory_space<semaphore_mem>>)
    %dma_start3A_11 = arith.constant 1 : i32
    %dma_start3A_12 = arith.constant 0 : i32
    %dma_start3A_13 = tpu.memref_slice %arg5[%dma_start3A_11, %dma_start3A_12] : memref<130x128xi32, #tpu.memory_space<vmem>> -> memref<1x128xi32, #tpu.memory_space<vmem>>
    %dma_start3A_14 = tpu.memref_squeeze %dma_start3A_13 : memref<1x128xi32, #tpu.memory_space<vmem>> -> memref<128xi32, #tpu.memory_space<vmem>>
    %dma_start3A_15 = arith.constant 0 : i32
    %dma_start3A_16 = arith.constant 0 : i32
    %dma_start3A_17 = tpu.memref_slice %arg21[%dma_start3A_15, %dma_start3A_16] : memref<128x128xf32, #tpu.memory_space<vmem_shared>> -> memref<128x128xf32, #tpu.memory_space<vmem_shared>>
    tpu.enqueue_indirect_dma source(%dma_start3A_17 : memref<128x128xf32, #tpu.memory_space<vmem_shared>>) target(%arg7 : memref<128x128xf32, #tpu.memory_space<vmem>>) offsets(%dma_start3A_14 : memref<128xi32, #tpu.memory_space<vmem>>) semaphore(%arg12 : memref<!tpu.dma_semaphore, #tpu.memory_space<semaphore_mem>>)
    %dma_start3A_18 = arith.constant 3 : i32
    %dma_start3A_19 = arith.constant 0 : i32
    %dma_start3A_20 = tpu.memref_slice %arg5[%dma_start3A_18, %dma_start3A_19] : memref<130x128xi32, #tpu.memory_space<vmem>> -> memref<1x128xi32, #tpu.memory_space<vmem>>
    %dma_start3A_21 = tpu.memref_squeeze %dma_start3A_20 : memref<1x128xi32, #tpu.memory_space<vmem>> -> memref<128xi32, #tpu.memory_space<vmem>>
    %dma_start3A_22 = arith.constant 0 : i32
    %dma_start3A_23 = arith.constant 0 : i32
    %dma_start3A_24 = tpu.memref_slice %arg21[%dma_start3A_22, %dma_start3A_23] : memref<128x128xf32, #tpu.memory_space<vmem_shared>> -> memref<128x128xf32, #tpu.memory_space<vmem_shared>>
    tpu.enqueue_indirect_dma source(%dma_start3A_24 : memref<128x128xf32, #tpu.memory_space<vmem_shared>>) target(%arg9 : memref<128x128xf32, #tpu.memory_space<vmem>>) offsets(%dma_start3A_21 : memref<128xi32, #tpu.memory_space<vmem>>) semaphore(%arg14 : memref<!tpu.dma_semaphore, #tpu.memory_space<semaphore_mem>>)
    %dma_start3A_25 = arith.constant 4 : i32
    %dma_start3A_26 = arith.constant 0 : i32
    %dma_start3A_27 = tpu.memref_slice %arg5[%dma_start3A_25, %dma_start3A_26] : memref<130x128xi32, #tpu.memory_space<vmem>> -> memref<1x128xi32, #tpu.memory_space<vmem>>
    %dma_start3A_28 = tpu.memref_squeeze %dma_start3A_27 : memref<1x128xi32, #tpu.memory_space<vmem>> -> memref<128xi32, #tpu.memory_space<vmem>>
    %dma_start3A_29 = arith.constant 0 : i32
    %dma_start3A_30 = arith.constant 0 : i32
    %dma_start3A_31 = tpu.memref_slice %arg21[%dma_start3A_29, %dma_start3A_30] : memref<128x128xf32, #tpu.memory_space<vmem_shared>> -> memref<128x128xf32, #tpu.memory_space<vmem_shared>>
    tpu.enqueue_indirect_dma source(%dma_start3A_31 : memref<128x128xf32, #tpu.memory_space<vmem_shared>>) target(%arg10 : memref<128x128xf32, #tpu.memory_space<vmem>>) offsets(%dma_start3A_28 : memref<128xi32, #tpu.memory_space<vmem>>) semaphore(%arg15 : memref<!tpu.dma_semaphore, #tpu.memory_space<semaphore_mem>>)
    %scan3A = arith.constant 0 : i32
    %scan3A_32 = arith.constant 0 : i32
    %scan3A_33 = arith.constant 26 : i32
    %scan3A_34 = arith.addi %scan3A_32, %scan3A_33 : i32
    %scan3A_35 = arith.constant 1 : i32
    scf.for %scan3A_56 = %scan3A_32 to %scan3A_34 step %scan3A_35  : i32 {
      %mul3A_57 = arith.constant 5 : i32
      %mul3A_58 = arith.muli %scan3A_56, %mul3A_57 : i32
      %add3A_59 = arith.constant 0 : i32
      %add3A_60 = arith.addi %mul3A_58, %add3A_59 : i32
      %ge3A = arith.constant 1 : i32
      %ge3A_61 = arith.cmpi sge, %scan3A_56, %ge3A : i32
      %add3A_62 = arith.constant 5 : i32
      %add3A_63 = arith.addi %add3A_60, %add3A_62 : i32
      %sub3A = arith.constant 1 : i32
      %sub3A_64 = arith.subi %add3A_63, %sub3A : i32
      %convert_element_type3A_65 = arith.extui %ge3A_61 : i1 to i32
      %cond3A_66 = arith.constant 0 : i32
      %cond3A_67 = arith.cmpi ne, %convert_element_type3A_65, %cond3A_66 : i32
      scf.if %cond3A_67 {
        %dma_wait3A_180 = arith.constant 0 : i32
        %dma_wait3A_181 = tpu.memref_slice %arg4[%mul3A_2, %dma_wait3A_180] : memref<532480x128xf32, #tpu.memory_space<hbm>> -> memref<128x128xf32, #tpu.memory_space<hbm>>
        %dma_wait3A_182 = arith.constant 0 : i32
        %dma_wait3A_183 = tpu.memref_slice %arg4[%mul3A_2, %dma_wait3A_182] : memref<532480x128xf32, #tpu.memory_space<hbm>> -> memref<128x128xf32, #tpu.memory_space<hbm>>
        tpu.wait_dma2 semaphore(%arg20 : memref<!tpu.dma_semaphore, #tpu.memory_space<semaphore_mem>>) src(%arg10 : memref<128x128xf32, #tpu.memory_space<vmem>>) dst(%dma_wait3A_183 : memref<128x128xf32, #tpu.memory_space<hbm>>)
        %dma_start3A_184 = arith.constant 0 : i32
        %dma_start3A_185 = tpu.memref_slice %arg5[%sub3A_64, %dma_start3A_184] : memref<130x128xi32, #tpu.memory_space<vmem>> -> memref<1x128xi32, #tpu.memory_space<vmem>>
        %dma_start3A_186 = tpu.memref_squeeze %dma_start3A_185 : memref<1x128xi32, #tpu.memory_space<vmem>> -> memref<128xi32, #tpu.memory_space<vmem>>
        %dma_start3A_187 = arith.constant 0 : i32
        %dma_start3A_188 = arith.constant 0 : i32
        %dma_start3A_189 = tpu.memref_slice %arg21[%dma_start3A_187, %dma_start3A_188] : memref<128x128xf32, #tpu.memory_space<vmem_shared>> -> memref<128x128xf32, #tpu.memory_space<vmem_shared>>
        tpu.enqueue_indirect_dma source(%dma_start3A_189 : memref<128x128xf32, #tpu.memory_space<vmem_shared>>) target(%arg10 : memref<128x128xf32, #tpu.memory_space<vmem>>) offsets(%dma_start3A_186 : memref<128xi32, #tpu.memory_space<vmem>>) semaphore(%arg15 : memref<!tpu.dma_semaphore, #tpu.memory_space<semaphore_mem>>)
      } else {
      }
      %dma_wait3A_68 = arith.constant 0 : i32
      %dma_wait3A_69 = arith.constant 0 : i32
      %dma_wait3A_70 = tpu.memref_slice %arg5[%dma_wait3A_68, %dma_wait3A_69] : memref<130x128xi32, #tpu.memory_space<vmem>> -> memref<1x128xi32, #tpu.memory_space<vmem>>
      %dma_wait3A_71 = tpu.memref_squeeze %dma_wait3A_70 : memref<1x128xi32, #tpu.memory_space<vmem>> -> memref<128xi32, #tpu.memory_space<vmem>>
      %dma_wait3A_72 = arith.constant 0 : i32
      %dma_wait3A_73 = arith.constant 0 : i32
      %dma_wait3A_74 = tpu.memref_slice %arg21[%dma_wait3A_72, %dma_wait3A_73] : memref<128x128xf32, #tpu.memory_space<vmem_shared>> -> memref<128x128xf32, #tpu.memory_space<vmem_shared>>
      tpu.wait_indirect_dma semaphore(%arg11 : memref<!tpu.dma_semaphore, #tpu.memory_space<semaphore_mem>>) src(%dma_wait3A_74 : memref<128x128xf32, #tpu.memory_space<vmem_shared>>) dst(%arg6 : memref<128x128xf32, #tpu.memory_space<vmem>>)
      %mul3A_75 = arith.constant 128 : i32
      %mul3A_76 = arith.muli %add3A_60, %mul3A_75 : i32
      %add3A_77 = arith.addi %mul3A_2, %mul3A_76 : i32
      %dma_start3A_78 = arith.constant 0 : i32
      %dma_start3A_79 = tpu.memref_slice %arg4[%add3A_77, %dma_start3A_78] : memref<532480x128xf32, #tpu.memory_space<hbm>> -> memref<128x128xf32, #tpu.memory_space<hbm>>
      %dma_start3A_80 = arith.constant 0 : i32
      %dma_start3A_81 = tpu.memref_slice %arg4[%add3A_77, %dma_start3A_80] : memref<532480x128xf32, #tpu.memory_space<hbm>> -> memref<128x128xf32, #tpu.memory_space<hbm>>
      tpu.enqueue_dma source(%arg6 : memref<128x128xf32, #tpu.memory_space<vmem>>) target(%dma_start3A_81 : memref<128x128xf32, #tpu.memory_space<hbm>>) target_semaphore(%arg16 : memref<!tpu.dma_semaphore, #tpu.memory_space<semaphore_mem>>)
      %mul3A_82 = arith.constant 5 : i32
      %mul3A_83 = arith.muli %scan3A_56, %mul3A_82 : i32
      %add3A_84 = arith.constant 1 : i32
      %add3A_85 = arith.addi %mul3A_83, %add3A_84 : i32
      %le3A = arith.constant 24 : i32
      %le3A_86 = arith.cmpi sle, %scan3A_56, %le3A : i32
      %add3A_87 = arith.constant 5 : i32
      %add3A_88 = arith.addi %add3A_85, %add3A_87 : i32
      %sub3A_89 = arith.constant 1 : i32
      %sub3A_90 = arith.subi %add3A_88, %sub3A_89 : i32
      %convert_element_type3A_91 = arith.extui %le3A_86 : i1 to i32
      %cond3A_92 = arith.constant 0 : i32
      %cond3A_93 = arith.cmpi ne, %convert_element_type3A_91, %cond3A_92 : i32
      scf.if %cond3A_93 {
        %dma_wait3A_180 = arith.constant 0 : i32
        %dma_wait3A_181 = tpu.memref_slice %arg4[%mul3A_2, %dma_wait3A_180] : memref<532480x128xf32, #tpu.memory_space<hbm>> -> memref<128x128xf32, #tpu.memory_space<hbm>>
        %dma_wait3A_182 = arith.constant 0 : i32
        %dma_wait3A_183 = tpu.memref_slice %arg4[%mul3A_2, %dma_wait3A_182] : memref<532480x128xf32, #tpu.memory_space<hbm>> -> memref<128x128xf32, #tpu.memory_space<hbm>>
        tpu.wait_dma2 semaphore(%arg16 : memref<!tpu.dma_semaphore, #tpu.memory_space<semaphore_mem>>) src(%arg6 : memref<128x128xf32, #tpu.memory_space<vmem>>) dst(%dma_wait3A_183 : memref<128x128xf32, #tpu.memory_space<hbm>>)
        %dma_start3A_184 = arith.constant 0 : i32
        %dma_start3A_185 = tpu.memref_slice %arg5[%sub3A_90, %dma_start3A_184] : memref<130x128xi32, #tpu.memory_space<vmem>> -> memref<1x128xi32, #tpu.memory_space<vmem>>
        %dma_start3A_186 = tpu.memref_squeeze %dma_start3A_185 : memref<1x128xi32, #tpu.memory_space<vmem>> -> memref<128xi32, #tpu.memory_space<vmem>>
        %dma_start3A_187 = arith.constant 0 : i32
        %dma_start3A_188 = arith.constant 0 : i32
        %dma_start3A_189 = tpu.memref_slice %arg21[%dma_start3A_187, %dma_start3A_188] : memref<128x128xf32, #tpu.memory_space<vmem_shared>> -> memref<128x128xf32, #tpu.memory_space<vmem_shared>>
        tpu.enqueue_indirect_dma source(%dma_start3A_189 : memref<128x128xf32, #tpu.memory_space<vmem_shared>>) target(%arg6 : memref<128x128xf32, #tpu.memory_space<vmem>>) offsets(%dma_start3A_186 : memref<128xi32, #tpu.memory_space<vmem>>) semaphore(%arg11 : memref<!tpu.dma_semaphore, #tpu.memory_space<semaphore_mem>>)
      } else {
      }
      %dma_wait3A_94 = arith.constant 0 : i32
      %dma_wait3A_95 = arith.constant 0 : i32
      %dma_wait3A_96 = tpu.memref_slice %arg5[%dma_wait3A_94, %dma_wait3A_95] : memref<130x128xi32, #tpu.memory_space<vmem>> -> memref<1x128xi32, #tpu.memory_space<vmem>>
      %dma_wait3A_97 = tpu.memref_squeeze %dma_wait3A_96 : memref<1x128xi32, #tpu.memory_space<vmem>> -> memref<128xi32, #tpu.memory_space<vmem>>
      %dma_wait3A_98 = arith.constant 0 : i32
      %dma_wait3A_99 = arith.constant 0 : i32
      %dma_wait3A_100 = tpu.memref_slice %arg21[%dma_wait3A_98, %dma_wait3A_99] : memref<128x128xf32, #tpu.memory_space<vmem_shared>> -> memref<128x128xf32, #tpu.memory_space<vmem_shared>>
      tpu.wait_indirect_dma semaphore(%arg12 : memref<!tpu.dma_semaphore, #tpu.memory_space<semaphore_mem>>) src(%dma_wait3A_100 : memref<128x128xf32, #tpu.memory_space<vmem_shared>>) dst(%arg7 : memref<128x128xf32, #tpu.memory_space<vmem>>)
      %mul3A_101 = arith.constant 128 : i32
      %mul3A_102 = arith.muli %add3A_85, %mul3A_101 : i32
      %add3A_103 = arith.addi %mul3A_2, %mul3A_102 : i32
      %dma_start3A_104 = arith.constant 0 : i32
      %dma_start3A_105 = tpu.memref_slice %arg4[%add3A_103, %dma_start3A_104] : memref<532480x128xf32, #tpu.memory_space<hbm>> -> memref<128x128xf32, #tpu.memory_space<hbm>>
      %dma_start3A_106 = arith.constant 0 : i32
      %dma_start3A_107 = tpu.memref_slice %arg4[%add3A_103, %dma_start3A_106] : memref<532480x128xf32, #tpu.memory_space<hbm>> -> memref<128x128xf32, #tpu.memory_space<hbm>>
      tpu.enqueue_dma source(%arg7 : memref<128x128xf32, #tpu.memory_space<vmem>>) target(%dma_start3A_107 : memref<128x128xf32, #tpu.memory_space<hbm>>) target_semaphore(%arg17 : memref<!tpu.dma_semaphore, #tpu.memory_space<semaphore_mem>>)
      %mul3A_108 = arith.constant 5 : i32
      %mul3A_109 = arith.muli %scan3A_56, %mul3A_108 : i32
      %add3A_110 = arith.constant 2 : i32
      %add3A_111 = arith.addi %mul3A_109, %add3A_110 : i32
      %le3A_112 = arith.constant 24 : i32
      %le3A_113 = arith.cmpi sle, %scan3A_56, %le3A_112 : i32
      %add3A_114 = arith.constant 5 : i32
      %add3A_115 = arith.addi %add3A_111, %add3A_114 : i32
      %sub3A_116 = arith.constant 1 : i32
      %sub3A_117 = arith.subi %add3A_115, %sub3A_116 : i32
      %convert_element_type3A_118 = arith.extui %le3A_113 : i1 to i32
      %cond3A_119 = arith.constant 0 : i32
      %cond3A_120 = arith.cmpi ne, %convert_element_type3A_118, %cond3A_119 : i32
      scf.if %cond3A_120 {
        %dma_wait3A_180 = arith.constant 0 : i32
        %dma_wait3A_181 = tpu.memref_slice %arg4[%mul3A_2, %dma_wait3A_180] : memref<532480x128xf32, #tpu.memory_space<hbm>> -> memref<128x128xf32, #tpu.memory_space<hbm>>
        %dma_wait3A_182 = arith.constant 0 : i32
        %dma_wait3A_183 = tpu.memref_slice %arg4[%mul3A_2, %dma_wait3A_182] : memref<532480x128xf32, #tpu.memory_space<hbm>> -> memref<128x128xf32, #tpu.memory_space<hbm>>
        tpu.wait_dma2 semaphore(%arg17 : memref<!tpu.dma_semaphore, #tpu.memory_space<semaphore_mem>>) src(%arg7 : memref<128x128xf32, #tpu.memory_space<vmem>>) dst(%dma_wait3A_183 : memref<128x128xf32, #tpu.memory_space<hbm>>)
        %dma_start3A_184 = arith.constant 0 : i32
        %dma_start3A_185 = tpu.memref_slice %arg5[%sub3A_117, %dma_start3A_184] : memref<130x128xi32, #tpu.memory_space<vmem>> -> memref<1x128xi32, #tpu.memory_space<vmem>>
        %dma_start3A_186 = tpu.memref_squeeze %dma_start3A_185 : memref<1x128xi32, #tpu.memory_space<vmem>> -> memref<128xi32, #tpu.memory_space<vmem>>
        %dma_start3A_187 = arith.constant 0 : i32
        %dma_start3A_188 = arith.constant 0 : i32
        %dma_start3A_189 = tpu.memref_slice %arg21[%dma_start3A_187, %dma_start3A_188] : memref<128x128xf32, #tpu.memory_space<vmem_shared>> -> memref<128x128xf32, #tpu.memory_space<vmem_shared>>
        tpu.enqueue_indirect_dma source(%dma_start3A_189 : memref<128x128xf32, #tpu.memory_space<vmem_shared>>) target(%arg7 : memref<128x128xf32, #tpu.memory_space<vmem>>) offsets(%dma_start3A_186 : memref<128xi32, #tpu.memory_space<vmem>>) semaphore(%arg12 : memref<!tpu.dma_semaphore, #tpu.memory_space<semaphore_mem>>)
      } else {
      }
      %ge3A_121 = arith.constant 1 : i32
      %ge3A_122 = arith.cmpi sge, %scan3A_56, %ge3A_121 : i32
      %convert_element_type3A_123 = arith.extui %ge3A_122 : i1 to i32
      %cond3A_124 = arith.constant 0 : i32
      %cond3A_125 = arith.cmpi ne, %convert_element_type3A_123, %cond3A_124 : i32
      scf.if %cond3A_125 {
        %dma_wait3A_180 = arith.constant 0 : i32
        %dma_wait3A_181 = tpu.memref_slice %arg4[%mul3A_2, %dma_wait3A_180] : memref<532480x128xf32, #tpu.memory_space<hbm>> -> memref<128x128xf32, #tpu.memory_space<hbm>>
        %dma_wait3A_182 = arith.constant 0 : i32
        %dma_wait3A_183 = tpu.memref_slice %arg4[%mul3A_2, %dma_wait3A_182] : memref<532480x128xf32, #tpu.memory_space<hbm>> -> memref<128x128xf32, #tpu.memory_space<hbm>>
        tpu.wait_dma2 semaphore(%arg18 : memref<!tpu.dma_semaphore, #tpu.memory_space<semaphore_mem>>) src(%arg8 : memref<128x128xf32, #tpu.memory_space<vmem>>) dst(%dma_wait3A_183 : memref<128x128xf32, #tpu.memory_space<hbm>>)
      } else {
      }
      %iota3A = tpu.iota {dimensions = array<i32: 0>} : vector<16xi32>
      %broadcast_in_dim3A = vector.broadcast %add3A_111 : i32 to vector<16xi32>
      %parallel_loop3A = arith.constant 0 : i32
      %parallel_loop3A_126 = arith.constant 64 : i32
      %parallel_loop3A_127 = arith.constant 1 : i32
      scf.for %parallel_loop3A_180 = %parallel_loop3A to %parallel_loop3A_126 step %parallel_loop3A_127  : i32 {
        %parallel_loop3A_181 = arith.constant 8 : i32
        %parallel_loop3A_182 = arith.divsi %parallel_loop3A_180, %parallel_loop3A_181 : i32
        %parallel_loop3A_183 = arith.constant 0 : i32
        %parallel_loop3A_184 = arith.cmpi sgt, %parallel_loop3A_180, %parallel_loop3A_183 : i32
        %parallel_loop3A_185 = arith.extui %parallel_loop3A_184 : i1 to i32
        %parallel_loop3A_186 = arith.constant 0 : i32
        %parallel_loop3A_187 = arith.cmpi slt, %parallel_loop3A_180, %parallel_loop3A_186 : i32
        %parallel_loop3A_188 = arith.extui %parallel_loop3A_187 : i1 to i32
        %parallel_loop3A_189 = arith.subi %parallel_loop3A_185, %parallel_loop3A_188 : i32
        %parallel_loop3A_190 = arith.constant 0 : i32
        %parallel_loop3A_191 = arith.cmpi sgt, %parallel_loop3A_181, %parallel_loop3A_190 : i32
        %parallel_loop3A_192 = arith.extui %parallel_loop3A_191 : i1 to i32
        %parallel_loop3A_193 = arith.constant 0 : i32
        %parallel_loop3A_194 = arith.cmpi slt, %parallel_loop3A_181, %parallel_loop3A_193 : i32
        %parallel_loop3A_195 = arith.extui %parallel_loop3A_194 : i1 to i32
        %parallel_loop3A_196 = arith.subi %parallel_loop3A_192, %parallel_loop3A_195 : i32
        %parallel_loop3A_197 = arith.cmpi ne, %parallel_loop3A_189, %parallel_loop3A_196 : i32
        %parallel_loop3A_198 = arith.remsi %parallel_loop3A_180, %parallel_loop3A_181 : i32
        %parallel_loop3A_199 = arith.constant 0 : i32
        %parallel_loop3A_200 = arith.cmpi ne, %parallel_loop3A_198, %parallel_loop3A_199 : i32
        %parallel_loop3A_201 = arith.andi %parallel_loop3A_197, %parallel_loop3A_200 : i1
        %parallel_loop3A_202 = arith.constant 1 : i32
        %parallel_loop3A_203 = arith.subi %parallel_loop3A_182, %parallel_loop3A_202 : i32
        %parallel_loop3A_204 = arith.select %parallel_loop3A_201, %parallel_loop3A_203, %parallel_loop3A_182 : i32
        %parallel_loop3A_205 = arith.constant 8 : i32
        %parallel_loop3A_206 = arith.constant 0 : i32
        %parallel_loop3A_207 = arith.cmpi eq, %parallel_loop3A_205, %parallel_loop3A_206 : i32
        %parallel_loop3A_208 = arith.constant 1 : i32
        %parallel_loop3A_209 = arith.select %parallel_loop3A_207, %parallel_loop3A_208, %parallel_loop3A_205 : i32
        %parallel_loop3A_210 = arith.remsi %parallel_loop3A_180, %parallel_loop3A_209 : i32
        %parallel_loop3A_211 = arith.constant 0 : i32
        %parallel_loop3A_212 = arith.cmpi ne, %parallel_loop3A_210, %parallel_loop3A_211 : i32
        %parallel_loop3A_213 = arith.constant 0 : i32
        %parallel_loop3A_214 = arith.cmpi slt, %parallel_loop3A_210, %parallel_loop3A_213 : i32
        %parallel_loop3A_215 = arith.constant 0 : i32
        %parallel_loop3A_216 = arith.cmpi slt, %parallel_loop3A_209, %parallel_loop3A_215 : i32
        %parallel_loop3A_217 = arith.xori %parallel_loop3A_214, %parallel_loop3A_216 : i1
        %parallel_loop3A_218 = arith.andi %parallel_loop3A_217, %parallel_loop3A_212 : i1
        %parallel_loop3A_219 = arith.addi %parallel_loop3A_210, %parallel_loop3A_209 : i32
        %parallel_loop3A_220 = arith.select %parallel_loop3A_218, %parallel_loop3A_219, %parallel_loop3A_210 : i32
        %parallel_loop3A_221 = arith.constant 16 : i32
        %parallel_loop3A_222 = arith.muli %parallel_loop3A_204, %parallel_loop3A_221 : i32
        %parallel_loop3A_223 = vector.broadcast %parallel_loop3A_222 : i32 to vector<16xi32>
        %parallel_loop3A_224 = arith.constant 16 : i32
        %parallel_loop3A_225 = arith.muli %parallel_loop3A_220, %parallel_loop3A_224 : i32
        %parallel_loop3A_226 = vector.broadcast %parallel_loop3A_225 : i32 to vector<16xi32>
        %parallel_loop3A_227 = arith.addi %parallel_loop3A_226, %iota3A : vector<16xi32>
        %parallel_loop3A_228 = tpu.vector_load_idx %arg5[%broadcast_in_dim3A, %parallel_loop3A_227] : memref<130x128xi32, #tpu.memory_space<vmem>>[vector<16xi32>, vector<16xi32>], vector<16xi32>,
        %parallel_loop3A_229 = arith.constant 0 : i32
        %parallel_loop3A_230 = vector.broadcast %parallel_loop3A_229 : i32 to vector<16xi32>
        %parallel_loop3A_231 = arith.addi %iota3A, %parallel_loop3A_230 : vector<16xi32>
        %parallel_loop3A_232 = arith.constant 15 : i32
        %parallel_loop3A_233 = vector.broadcast %parallel_loop3A_232 : i32 to vector<16xi32>
        %parallel_loop3A_234 = arith.andi %parallel_loop3A_231, %parallel_loop3A_233 : vector<16xi32>
        %parallel_loop3A_235 = arith.addi %parallel_loop3A_234, %parallel_loop3A_223 : vector<16xi32>
        %parallel_loop3A_236 = tpu.vector_load_idx %arg22[%parallel_loop3A_228, %parallel_loop3A_235] : memref<128x128xf32, #tpu.memory_space<vmem>>[vector<16xi32>, vector<16xi32>], vector<16xf32>,
        tpu.vector_store_idx %arg8[%parallel_loop3A_227, %parallel_loop3A_235], %parallel_loop3A_236 : memref<128x128xf32, #tpu.memory_space<vmem>>[vector<16xi32>, vector<16xi32>], vector<16xf32>,
        %parallel_loop3A_237 = arith.constant 1 : i32
        %parallel_loop3A_238 = vector.broadcast %parallel_loop3A_237 : i32 to vector<16xi32>
        %parallel_loop3A_239 = arith.addi %iota3A, %parallel_loop3A_238 : vector<16xi32>
        %parallel_loop3A_240 = arith.constant 15 : i32
        %parallel_loop3A_241 = vector.broadcast %parallel_loop3A_240 : i32 to vector<16xi32>
        %parallel_loop3A_242 = arith.andi %parallel_loop3A_239, %parallel_loop3A_241 : vector<16xi32>
        %parallel_loop3A_243 = arith.addi %parallel_loop3A_242, %parallel_loop3A_223 : vector<16xi32>
        %parallel_loop3A_244 = tpu.vector_load_idx %arg22[%parallel_loop3A_228, %parallel_loop3A_243] : memref<128x128xf32, #tpu.memory_space<vmem>>[vector<16xi32>, vector<16xi32>], vector<16xf32>,
        tpu.vector_store_idx %arg8[%parallel_loop3A_227, %parallel_loop3A_243], %parallel_loop3A_244 : memref<128x128xf32, #tpu.memory_space<vmem>>[vector<16xi32>, vector<16xi32>], vector<16xf32>,
        %parallel_loop3A_245 = arith.constant 2 : i32
        %parallel_loop3A_246 = vector.broadcast %parallel_loop3A_245 : i32 to vector<16xi32>
        %parallel_loop3A_247 = arith.addi %iota3A, %parallel_loop3A_246 : vector<16xi32>
        %parallel_loop3A_248 = arith.constant 15 : i32
        %parallel_loop3A_249 = vector.broadcast %parallel_loop3A_248 : i32 to vector<16xi32>
        %parallel_loop3A_250 = arith.andi %parallel_loop3A_247, %parallel_loop3A_249 : vector<16xi32>
        %parallel_loop3A_251 = arith.addi %parallel_loop3A_250, %parallel_loop3A_223 : vector<16xi32>
        %parallel_loop3A_252 = tpu.vector_load_idx %arg22[%parallel_loop3A_228, %parallel_loop3A_251] : memref<128x128xf32, #tpu.memory_space<vmem>>[vector<16xi32>, vector<16xi32>], vector<16xf32>,
        tpu.vector_store_idx %arg8[%parallel_loop3A_227, %parallel_loop3A_251], %parallel_loop3A_252 : memref<128x128xf32, #tpu.memory_space<vmem>>[vector<16xi32>, vector<16xi32>], vector<16xf32>,
        %parallel_loop3A_253 = arith.constant 3 : i32
        %parallel_loop3A_254 = vector.broadcast %parallel_loop3A_253 : i32 to vector<16xi32>
        %parallel_loop3A_255 = arith.addi %iota3A, %parallel_loop3A_254 : vector<16xi32>
        %parallel_loop3A_256 = arith.constant 15 : i32
        %parallel_loop3A_257 = vector.broadcast %parallel_loop3A_256 : i32 to vector<16xi32>
        %parallel_loop3A_258 = arith.andi %parallel_loop3A_255, %parallel_loop3A_257 : vector<16xi32>
        %parallel_loop3A_259 = arith.addi %parallel_loop3A_258, %parallel_loop3A_223 : vector<16xi32>
        %parallel_loop3A_260 = tpu.vector_load_idx %arg22[%parallel_loop3A_228, %parallel_loop3A_259] : memref<128x128xf32, #tpu.memory_space<vmem>>[vector<16xi32>, vector<16xi32>], vector<16xf32>,
        tpu.vector_store_idx %arg8[%parallel_loop3A_227, %parallel_loop3A_259], %parallel_loop3A_260 : memref<128x128xf32, #tpu.memory_space<vmem>>[vector<16xi32>, vector<16xi32>], vector<16xf32>,
        %parallel_loop3A_261 = arith.constant 4 : i32
        %parallel_loop3A_262 = vector.broadcast %parallel_loop3A_261 : i32 to vector<16xi32>
        %parallel_loop3A_263 = arith.addi %iota3A, %parallel_loop3A_262 : vector<16xi32>
        %parallel_loop3A_264 = arith.constant 15 : i32
        %parallel_loop3A_265 = vector.broadcast %parallel_loop3A_264 : i32 to vector<16xi32>
        %parallel_loop3A_266 = arith.andi %parallel_loop3A_263, %parallel_loop3A_265 : vector<16xi32>
        %parallel_loop3A_267 = arith.addi %parallel_loop3A_266, %parallel_loop3A_223 : vector<16xi32>
        %parallel_loop3A_268 = tpu.vector_load_idx %arg22[%parallel_loop3A_228, %parallel_loop3A_267] : memref<128x128xf32, #tpu.memory_space<vmem>>[vector<16xi32>, vector<16xi32>], vector<16xf32>,
        tpu.vector_store_idx %arg8[%parallel_loop3A_227, %parallel_loop3A_267], %parallel_loop3A_268 : memref<128x128xf32, #tpu.memory_space<vmem>>[vector<16xi32>, vector<16xi32>], vector<16xf32>,
        %parallel_loop3A_269 = arith.constant 5 : i32
        %parallel_loop3A_270 = vector.broadcast %parallel_loop3A_269 : i32 to vector<16xi32>
        %parallel_loop3A_271 = arith.addi %iota3A, %parallel_loop3A_270 : vector<16xi32>
        %parallel_loop3A_272 = arith.constant 15 : i32
        %parallel_loop3A_273 = vector.broadcast %parallel_loop3A_272 : i32 to vector<16xi32>
        %parallel_loop3A_274 = arith.andi %parallel_loop3A_271, %parallel_loop3A_273 : vector<16xi32>
        %parallel_loop3A_275 = arith.addi %parallel_loop3A_274, %parallel_loop3A_223 : vector<16xi32>
        %parallel_loop3A_276 = tpu.vector_load_idx %arg22[%parallel_loop3A_228, %parallel_loop3A_275] : memref<128x128xf32, #tpu.memory_space<vmem>>[vector<16xi32>, vector<16xi32>], vector<16xf32>,
        tpu.vector_store_idx %arg8[%parallel_loop3A_227, %parallel_loop3A_275], %parallel_loop3A_276 : memref<128x128xf32, #tpu.memory_space<vmem>>[vector<16xi32>, vector<16xi32>], vector<16xf32>,
        %parallel_loop3A_277 = arith.constant 6 : i32
        %parallel_loop3A_278 = vector.broadcast %parallel_loop3A_277 : i32 to vector<16xi32>
        %parallel_loop3A_279 = arith.addi %iota3A, %parallel_loop3A_278 : vector<16xi32>
        %parallel_loop3A_280 = arith.constant 15 : i32
        %parallel_loop3A_281 = vector.broadcast %parallel_loop3A_280 : i32 to vector<16xi32>
        %parallel_loop3A_282 = arith.andi %parallel_loop3A_279, %parallel_loop3A_281 : vector<16xi32>
        %parallel_loop3A_283 = arith.addi %parallel_loop3A_282, %parallel_loop3A_223 : vector<16xi32>
        %parallel_loop3A_284 = tpu.vector_load_idx %arg22[%parallel_loop3A_228, %parallel_loop3A_283] : memref<128x128xf32, #tpu.memory_space<vmem>>[vector<16xi32>, vector<16xi32>], vector<16xf32>,
        tpu.vector_store_idx %arg8[%parallel_loop3A_227, %parallel_loop3A_283], %parallel_loop3A_284 : memref<128x128xf32, #tpu.memory_space<vmem>>[vector<16xi32>, vector<16xi32>], vector<16xf32>,
        %parallel_loop3A_285 = arith.constant 7 : i32
        %parallel_loop3A_286 = vector.broadcast %parallel_loop3A_285 : i32 to vector<16xi32>
        %parallel_loop3A_287 = arith.addi %iota3A, %parallel_loop3A_286 : vector<16xi32>
        %parallel_loop3A_288 = arith.constant 15 : i32
        %parallel_loop3A_289 = vector.broadcast %parallel_loop3A_288 : i32 to vector<16xi32>
        %parallel_loop3A_290 = arith.andi %parallel_loop3A_287, %parallel_loop3A_289 : vector<16xi32>
        %parallel_loop3A_291 = arith.addi %parallel_loop3A_290, %parallel_loop3A_223 : vector<16xi32>
        %parallel_loop3A_292 = tpu.vector_load_idx %arg22[%parallel_loop3A_228, %parallel_loop3A_291] : memref<128x128xf32, #tpu.memory_space<vmem>>[vector<16xi32>, vector<16xi32>], vector<16xf32>,
        tpu.vector_store_idx %arg8[%parallel_loop3A_227, %parallel_loop3A_291], %parallel_loop3A_292 : memref<128x128xf32, #tpu.memory_space<vmem>>[vector<16xi32>, vector<16xi32>], vector<16xf32>,
        %parallel_loop3A_293 = arith.constant 8 : i32
        %parallel_loop3A_294 = vector.broadcast %parallel_loop3A_293 : i32 to vector<16xi32>
        %parallel_loop3A_295 = arith.addi %iota3A, %parallel_loop3A_294 : vector<16xi32>
        %parallel_loop3A_296 = arith.constant 15 : i32
        %parallel_loop3A_297 = vector.broadcast %parallel_loop3A_296 : i32 to vector<16xi32>
        %parallel_loop3A_298 = arith.andi %parallel_loop3A_295, %parallel_loop3A_297 : vector<16xi32>
        %parallel_loop3A_299 = arith.addi %parallel_loop3A_298, %parallel_loop3A_223 : vector<16xi32>
        %parallel_loop3A_300 = tpu.vector_load_idx %arg22[%parallel_loop3A_228, %parallel_loop3A_299] : memref<128x128xf32, #tpu.memory_space<vmem>>[vector<16xi32>, vector<16xi32>], vector<16xf32>,
        tpu.vector_store_idx %arg8[%parallel_loop3A_227, %parallel_loop3A_299], %parallel_loop3A_300 : memref<128x128xf32, #tpu.memory_space<vmem>>[vector<16xi32>, vector<16xi32>], vector<16xf32>,
        %parallel_loop3A_301 = arith.constant 9 : i32
        %parallel_loop3A_302 = vector.broadcast %parallel_loop3A_301 : i32 to vector<16xi32>
        %parallel_loop3A_303 = arith.addi %iota3A, %parallel_loop3A_302 : vector<16xi32>
        %parallel_loop3A_304 = arith.constant 15 : i32
        %parallel_loop3A_305 = vector.broadcast %parallel_loop3A_304 : i32 to vector<16xi32>
        %parallel_loop3A_306 = arith.andi %parallel_loop3A_303, %parallel_loop3A_305 : vector<16xi32>
        %parallel_loop3A_307 = arith.addi %parallel_loop3A_306, %parallel_loop3A_223 : vector<16xi32>
        %parallel_loop3A_308 = tpu.vector_load_idx %arg22[%parallel_loop3A_228, %parallel_loop3A_307] : memref<128x128xf32, #tpu.memory_space<vmem>>[vector<16xi32>, vector<16xi32>], vector<16xf32>,
        tpu.vector_store_idx %arg8[%parallel_loop3A_227, %parallel_loop3A_307], %parallel_loop3A_308 : memref<128x128xf32, #tpu.memory_space<vmem>>[vector<16xi32>, vector<16xi32>], vector<16xf32>,
        %parallel_loop3A_309 = arith.constant 10 : i32
        %parallel_loop3A_310 = vector.broadcast %parallel_loop3A_309 : i32 to vector<16xi32>
        %parallel_loop3A_311 = arith.addi %iota3A, %parallel_loop3A_310 : vector<16xi32>
        %parallel_loop3A_312 = arith.constant 15 : i32
        %parallel_loop3A_313 = vector.broadcast %parallel_loop3A_312 : i32 to vector<16xi32>
        %parallel_loop3A_314 = arith.andi %parallel_loop3A_311, %parallel_loop3A_313 : vector<16xi32>
        %parallel_loop3A_315 = arith.addi %parallel_loop3A_314, %parallel_loop3A_223 : vector<16xi32>
        %parallel_loop3A_316 = tpu.vector_load_idx %arg22[%parallel_loop3A_228, %parallel_loop3A_315] : memref<128x128xf32, #tpu.memory_space<vmem>>[vector<16xi32>, vector<16xi32>], vector<16xf32>,
        tpu.vector_store_idx %arg8[%parallel_loop3A_227, %parallel_loop3A_315], %parallel_loop3A_316 : memref<128x128xf32, #tpu.memory_space<vmem>>[vector<16xi32>, vector<16xi32>], vector<16xf32>,
        %parallel_loop3A_317 = arith.constant 11 : i32
        %parallel_loop3A_318 = vector.broadcast %parallel_loop3A_317 : i32 to vector<16xi32>
        %parallel_loop3A_319 = arith.addi %iota3A, %parallel_loop3A_318 : vector<16xi32>
        %parallel_loop3A_320 = arith.constant 15 : i32
        %parallel_loop3A_321 = vector.broadcast %parallel_loop3A_320 : i32 to vector<16xi32>
        %parallel_loop3A_322 = arith.andi %parallel_loop3A_319, %parallel_loop3A_321 : vector<16xi32>
        %parallel_loop3A_323 = arith.addi %parallel_loop3A_322, %parallel_loop3A_223 : vector<16xi32>
        %parallel_loop3A_324 = tpu.vector_load_idx %arg22[%parallel_loop3A_228, %parallel_loop3A_323] : memref<128x128xf32, #tpu.memory_space<vmem>>[vector<16xi32>, vector<16xi32>], vector<16xf32>,
        tpu.vector_store_idx %arg8[%parallel_loop3A_227, %parallel_loop3A_323], %parallel_loop3A_324 : memref<128x128xf32, #tpu.memory_space<vmem>>[vector<16xi32>, vector<16xi32>], vector<16xf32>,
        %parallel_loop3A_325 = arith.constant 12 : i32
        %parallel_loop3A_326 = vector.broadcast %parallel_loop3A_325 : i32 to vector<16xi32>
        %parallel_loop3A_327 = arith.addi %iota3A, %parallel_loop3A_326 : vector<16xi32>
        %parallel_loop3A_328 = arith.constant 15 : i32
        %parallel_loop3A_329 = vector.broadcast %parallel_loop3A_328 : i32 to vector<16xi32>
        %parallel_loop3A_330 = arith.andi %parallel_loop3A_327, %parallel_loop3A_329 : vector<16xi32>
        %parallel_loop3A_331 = arith.addi %parallel_loop3A_330, %parallel_loop3A_223 : vector<16xi32>
        %parallel_loop3A_332 = tpu.vector_load_idx %arg22[%parallel_loop3A_228, %parallel_loop3A_331] : memref<128x128xf32, #tpu.memory_space<vmem>>[vector<16xi32>, vector<16xi32>], vector<16xf32>,
        tpu.vector_store_idx %arg8[%parallel_loop3A_227, %parallel_loop3A_331], %parallel_loop3A_332 : memref<128x128xf32, #tpu.memory_space<vmem>>[vector<16xi32>, vector<16xi32>], vector<16xf32>,
        %parallel_loop3A_333 = arith.constant 13 : i32
        %parallel_loop3A_334 = vector.broadcast %parallel_loop3A_333 : i32 to vector<16xi32>
        %parallel_loop3A_335 = arith.addi %iota3A, %parallel_loop3A_334 : vector<16xi32>
        %parallel_loop3A_336 = arith.constant 15 : i32
        %parallel_loop3A_337 = vector.broadcast %parallel_loop3A_336 : i32 to vector<16xi32>
        %parallel_loop3A_338 = arith.andi %parallel_loop3A_335, %parallel_loop3A_337 : vector<16xi32>
        %parallel_loop3A_339 = arith.addi %parallel_loop3A_338, %parallel_loop3A_223 : vector<16xi32>
        %parallel_loop3A_340 = tpu.vector_load_idx %arg22[%parallel_loop3A_228, %parallel_loop3A_339] : memref<128x128xf32, #tpu.memory_space<vmem>>[vector<16xi32>, vector<16xi32>], vector<16xf32>,
        tpu.vector_store_idx %arg8[%parallel_loop3A_227, %parallel_loop3A_339], %parallel_loop3A_340 : memref<128x128xf32, #tpu.memory_space<vmem>>[vector<16xi32>, vector<16xi32>], vector<16xf32>,
        %parallel_loop3A_341 = arith.constant 14 : i32
        %parallel_loop3A_342 = vector.broadcast %parallel_loop3A_341 : i32 to vector<16xi32>
        %parallel_loop3A_343 = arith.addi %iota3A, %parallel_loop3A_342 : vector<16xi32>
        %parallel_loop3A_344 = arith.constant 15 : i32
        %parallel_loop3A_345 = vector.broadcast %parallel_loop3A_344 : i32 to vector<16xi32>
        %parallel_loop3A_346 = arith.andi %parallel_loop3A_343, %parallel_loop3A_345 : vector<16xi32>
        %parallel_loop3A_347 = arith.addi %parallel_loop3A_346, %parallel_loop3A_223 : vector<16xi32>
        %parallel_loop3A_348 = tpu.vector_load_idx %arg22[%parallel_loop3A_228, %parallel_loop3A_347] : memref<128x128xf32, #tpu.memory_space<vmem>>[vector<16xi32>, vector<16xi32>], vector<16xf32>,
        tpu.vector_store_idx %arg8[%parallel_loop3A_227, %parallel_loop3A_347], %parallel_loop3A_348 : memref<128x128xf32, #tpu.memory_space<vmem>>[vector<16xi32>, vector<16xi32>], vector<16xf32>,
        %parallel_loop3A_349 = arith.constant 15 : i32
        %parallel_loop3A_350 = vector.broadcast %parallel_loop3A_349 : i32 to vector<16xi32>
        %parallel_loop3A_351 = arith.addi %iota3A, %parallel_loop3A_350 : vector<16xi32>
        %parallel_loop3A_352 = arith.constant 15 : i32
        %parallel_loop3A_353 = vector.broadcast %parallel_loop3A_352 : i32 to vector<16xi32>
        %parallel_loop3A_354 = arith.andi %parallel_loop3A_351, %parallel_loop3A_353 : vector<16xi32>
        %parallel_loop3A_355 = arith.addi %parallel_loop3A_354, %parallel_loop3A_223 : vector<16xi32>
        %parallel_loop3A_356 = tpu.vector_load_idx %arg22[%parallel_loop3A_228, %parallel_loop3A_355] : memref<128x128xf32, #tpu.memory_space<vmem>>[vector<16xi32>, vector<16xi32>], vector<16xf32>,
        tpu.vector_store_idx %arg8[%parallel_loop3A_227, %parallel_loop3A_355], %parallel_loop3A_356 : memref<128x128xf32, #tpu.memory_space<vmem>>[vector<16xi32>, vector<16xi32>], vector<16xf32>,
      } {sc.loop_unroll_factor = 4 : i64, sc.parallel_access}
      %mul3A_128 = arith.constant 128 : i32
      %mul3A_129 = arith.muli %add3A_111, %mul3A_128 : i32
      %add3A_130 = arith.addi %mul3A_2, %mul3A_129 : i32
      %dma_start3A_131 = arith.constant 0 : i32
      %dma_start3A_132 = tpu.memref_slice %arg4[%add3A_130, %dma_start3A_131] : memref<532480x128xf32, #tpu.memory_space<hbm>> -> memref<128x128xf32, #tpu.memory_space<hbm>>
      %dma_start3A_133 = arith.constant 0 : i32
      %dma_start3A_134 = tpu.memref_slice %arg4[%add3A_130, %dma_start3A_133] : memref<532480x128xf32, #tpu.memory_space<hbm>> -> memref<128x128xf32, #tpu.memory_space<hbm>>
      tpu.enqueue_dma source(%arg8 : memref<128x128xf32, #tpu.memory_space<vmem>>) target(%dma_start3A_134 : memref<128x128xf32, #tpu.memory_space<hbm>>) target_semaphore(%arg18 : memref<!tpu.dma_semaphore, #tpu.memory_space<semaphore_mem>>)
      %mul3A_135 = arith.constant 5 : i32
      %mul3A_136 = arith.muli %scan3A_56, %mul3A_135 : i32
      %add3A_137 = arith.constant 3 : i32
      %add3A_138 = arith.addi %mul3A_136, %add3A_137 : i32
      %dma_wait3A_139 = arith.constant 0 : i32
      %dma_wait3A_140 = arith.constant 0 : i32
      %dma_wait3A_141 = tpu.memref_slice %arg5[%dma_wait3A_139, %dma_wait3A_140] : memref<130x128xi32, #tpu.memory_space<vmem>> -> memref<1x128xi32, #tpu.memory_space<vmem>>
      %dma_wait3A_142 = tpu.memref_squeeze %dma_wait3A_141 : memref<1x128xi32, #tpu.memory_space<vmem>> -> memref<128xi32, #tpu.memory_space<vmem>>
      %dma_wait3A_143 = arith.constant 0 : i32
      %dma_wait3A_144 = arith.constant 0 : i32
      %dma_wait3A_145 = tpu.memref_slice %arg21[%dma_wait3A_143, %dma_wait3A_144] : memref<128x128xf32, #tpu.memory_space<vmem_shared>> -> memref<128x128xf32, #tpu.memory_space<vmem_shared>>
      tpu.wait_indirect_dma semaphore(%arg14 : memref<!tpu.dma_semaphore, #tpu.memory_space<semaphore_mem>>) src(%dma_wait3A_145 : memref<128x128xf32, #tpu.memory_space<vmem_shared>>) dst(%arg9 : memref<128x128xf32, #tpu.memory_space<vmem>>)
      %mul3A_146 = arith.constant 128 : i32
      %mul3A_147 = arith.muli %add3A_138, %mul3A_146 : i32
      %add3A_148 = arith.addi %mul3A_2, %mul3A_147 : i32
      %dma_start3A_149 = arith.constant 0 : i32
      %dma_start3A_150 = tpu.memref_slice %arg4[%add3A_148, %dma_start3A_149] : memref<532480x128xf32, #tpu.memory_space<hbm>> -> memref<128x128xf32, #tpu.memory_space<hbm>>
      %dma_start3A_151 = arith.constant 0 : i32
      %dma_start3A_152 = tpu.memref_slice %arg4[%add3A_148, %dma_start3A_151] : memref<532480x128xf32, #tpu.memory_space<hbm>> -> memref<128x128xf32, #tpu.memory_space<hbm>>
      tpu.enqueue_dma source(%arg9 : memref<128x128xf32, #tpu.memory_space<vmem>>) target(%dma_start3A_152 : memref<128x128xf32, #tpu.memory_space<hbm>>) target_semaphore(%arg19 : memref<!tpu.dma_semaphore, #tpu.memory_space<semaphore_mem>>)
      %mul3A_153 = arith.constant 5 : i32
      %mul3A_154 = arith.muli %scan3A_56, %mul3A_153 : i32
      %add3A_155 = arith.constant 4 : i32
      %add3A_156 = arith.addi %mul3A_154, %add3A_155 : i32
      %le3A_157 = arith.constant 24 : i32
      %le3A_158 = arith.cmpi sle, %scan3A_56, %le3A_157 : i32
      %add3A_159 = arith.constant 5 : i32
      %add3A_160 = arith.addi %add3A_156, %add3A_159 : i32
      %sub3A_161 = arith.constant 1 : i32
      %sub3A_162 = arith.subi %add3A_160, %sub3A_161 : i32
      %convert_element_type3A_163 = arith.extui %le3A_158 : i1 to i32
      %cond3A_164 = arith.constant 0 : i32
      %cond3A_165 = arith.cmpi ne, %convert_element_type3A_163, %cond3A_164 : i32
      scf.if %cond3A_165 {
        %dma_wait3A_180 = arith.constant 0 : i32
        %dma_wait3A_181 = tpu.memref_slice %arg4[%mul3A_2, %dma_wait3A_180] : memref<532480x128xf32, #tpu.memory_space<hbm>> -> memref<128x128xf32, #tpu.memory_space<hbm>>
        %dma_wait3A_182 = arith.constant 0 : i32
        %dma_wait3A_183 = tpu.memref_slice %arg4[%mul3A_2, %dma_wait3A_182] : memref<532480x128xf32, #tpu.memory_space<hbm>> -> memref<128x128xf32, #tpu.memory_space<hbm>>
        tpu.wait_dma2 semaphore(%arg19 : memref<!tpu.dma_semaphore, #tpu.memory_space<semaphore_mem>>) src(%arg9 : memref<128x128xf32, #tpu.memory_space<vmem>>) dst(%dma_wait3A_183 : memref<128x128xf32, #tpu.memory_space<hbm>>)
        %dma_start3A_184 = arith.constant 0 : i32
        %dma_start3A_185 = tpu.memref_slice %arg5[%sub3A_162, %dma_start3A_184] : memref<130x128xi32, #tpu.memory_space<vmem>> -> memref<1x128xi32, #tpu.memory_space<vmem>>
        %dma_start3A_186 = tpu.memref_squeeze %dma_start3A_185 : memref<1x128xi32, #tpu.memory_space<vmem>> -> memref<128xi32, #tpu.memory_space<vmem>>
        %dma_start3A_187 = arith.constant 0 : i32
        %dma_start3A_188 = arith.constant 0 : i32
        %dma_start3A_189 = tpu.memref_slice %arg21[%dma_start3A_187, %dma_start3A_188] : memref<128x128xf32, #tpu.memory_space<vmem_shared>> -> memref<128x128xf32, #tpu.memory_space<vmem_shared>>
        tpu.enqueue_indirect_dma source(%dma_start3A_189 : memref<128x128xf32, #tpu.memory_space<vmem_shared>>) target(%arg9 : memref<128x128xf32, #tpu.memory_space<vmem>>) offsets(%dma_start3A_186 : memref<128xi32, #tpu.memory_space<vmem>>) semaphore(%arg14 : memref<!tpu.dma_semaphore, #tpu.memory_space<semaphore_mem>>)
      } else {
      }
      %dma_wait3A_166 = arith.constant 0 : i32
      %dma_wait3A_167 = arith.constant 0 : i32
      %dma_wait3A_168 = tpu.memref_slice %arg5[%dma_wait3A_166, %dma_wait3A_167] : memref<130x128xi32, #tpu.memory_space<vmem>> -> memref<1x128xi32, #tpu.memory_space<vmem>>
      %dma_wait3A_169 = tpu.memref_squeeze %dma_wait3A_168 : memref<1x128xi32, #tpu.memory_space<vmem>> -> memref<128xi32, #tpu.memory_space<vmem>>
      %dma_wait3A_170 = arith.constant 0 : i32
      %dma_wait3A_171 = arith.constant 0 : i32
      %dma_wait3A_172 = tpu.memref_slice %arg21[%dma_wait3A_170, %dma_wait3A_171] : memref<128x128xf32, #tpu.memory_space<vmem_shared>> -> memref<128x128xf32, #tpu.memory_space<vmem_shared>>
      tpu.wait_indirect_dma semaphore(%arg15 : memref<!tpu.dma_semaphore, #tpu.memory_space<semaphore_mem>>) src(%dma_wait3A_172 : memref<128x128xf32, #tpu.memory_space<vmem_shared>>) dst(%arg10 : memref<128x128xf32, #tpu.memory_space<vmem>>)
      %mul3A_173 = arith.constant 128 : i32
      %mul3A_174 = arith.muli %add3A_156, %mul3A_173 : i32
      %add3A_175 = arith.addi %mul3A_2, %mul3A_174 : i32
      %dma_start3A_176 = arith.constant 0 : i32
      %dma_start3A_177 = tpu.memref_slice %arg4[%add3A_175, %dma_start3A_176] : memref<532480x128xf32, #tpu.memory_space<hbm>> -> memref<128x128xf32, #tpu.memory_space<hbm>>
      %dma_start3A_178 = arith.constant 0 : i32
      %dma_start3A_179 = tpu.memref_slice %arg4[%add3A_175, %dma_start3A_178] : memref<532480x128xf32, #tpu.memory_space<hbm>> -> memref<128x128xf32, #tpu.memory_space<hbm>>
      tpu.enqueue_dma source(%arg10 : memref<128x128xf32, #tpu.memory_space<vmem>>) target(%dma_start3A_179 : memref<128x128xf32, #tpu.memory_space<hbm>>) target_semaphore(%arg20 : memref<!tpu.dma_semaphore, #tpu.memory_space<semaphore_mem>>)
    }
    %scan3A_36 = arith.constant 26 : i32
    %dma_wait3A = arith.constant 0 : i32
    %dma_wait3A_37 = tpu.memref_slice %arg4[%mul3A_2, %dma_wait3A] : memref<532480x128xf32, #tpu.memory_space<hbm>> -> memref<128x128xf32, #tpu.memory_space<hbm>>
    %dma_wait3A_38 = arith.constant 0 : i32
    %dma_wait3A_39 = tpu.memref_slice %arg4[%mul3A_2, %dma_wait3A_38] : memref<532480x128xf32, #tpu.memory_space<hbm>> -> memref<128x128xf32, #tpu.memory_space<hbm>>
    tpu.wait_dma2 semaphore(%arg16 : memref<!tpu.dma_semaphore, #tpu.memory_space<semaphore_mem>>) src(%arg6 : memref<128x128xf32, #tpu.memory_space<vmem>>) dst(%dma_wait3A_39 : memref<128x128xf32, #tpu.memory_space<hbm>>)
    %dma_wait3A_40 = arith.constant 0 : i32
    %dma_wait3A_41 = tpu.memref_slice %arg4[%mul3A_2, %dma_wait3A_40] : memref<532480x128xf32, #tpu.memory_space<hbm>> -> memref<128x128xf32, #tpu.memory_space<hbm>>
    %dma_wait3A_42 = arith.constant 0 : i32
    %dma_wait3A_43 = tpu.memref_slice %arg4[%mul3A_2, %dma_wait3A_42] : memref<532480x128xf32, #tpu.memory_space<hbm>> -> memref<128x128xf32, #tpu.memory_space<hbm>>
    tpu.wait_dma2 semaphore(%arg17 : memref<!tpu.dma_semaphore, #tpu.memory_space<semaphore_mem>>) src(%arg7 : memref<128x128xf32, #tpu.memory_space<vmem>>) dst(%dma_wait3A_43 : memref<128x128xf32, #tpu.memory_space<hbm>>)
    %dma_wait3A_44 = arith.constant 0 : i32
    %dma_wait3A_45 = tpu.memref_slice %arg4[%mul3A_2, %dma_wait3A_44] : memref<532480x128xf32, #tpu.memory_space<hbm>> -> memref<128x128xf32, #tpu.memory_space<hbm>>
    %dma_wait3A_46 = arith.constant 0 : i32
    %dma_wait3A_47 = tpu.memref_slice %arg4[%mul3A_2, %dma_wait3A_46] : memref<532480x128xf32, #tpu.memory_space<hbm>> -> memref<128x128xf32, #tpu.memory_space<hbm>>
    tpu.wait_dma2 semaphore(%arg18 : memref<!tpu.dma_semaphore, #tpu.memory_space<semaphore_mem>>) src(%arg8 : memref<128x128xf32, #tpu.memory_space<vmem>>) dst(%dma_wait3A_47 : memref<128x128xf32, #tpu.memory_space<hbm>>)
    %dma_wait3A_48 = arith.constant 0 : i32
    %dma_wait3A_49 = tpu.memref_slice %arg4[%mul3A_2, %dma_wait3A_48] : memref<532480x128xf32, #tpu.memory_space<hbm>> -> memref<128x128xf32, #tpu.memory_space<hbm>>
    %dma_wait3A_50 = arith.constant 0 : i32
    %dma_wait3A_51 = tpu.memref_slice %arg4[%mul3A_2, %dma_wait3A_50] : memref<532480x128xf32, #tpu.memory_space<hbm>> -> memref<128x128xf32, #tpu.memory_space<hbm>>
    tpu.wait_dma2 semaphore(%arg19 : memref<!tpu.dma_semaphore, #tpu.memory_space<semaphore_mem>>) src(%arg9 : memref<128x128xf32, #tpu.memory_space<vmem>>) dst(%dma_wait3A_51 : memref<128x128xf32, #tpu.memory_space<hbm>>)
    %dma_wait3A_52 = arith.constant 0 : i32
    %dma_wait3A_53 = tpu.memref_slice %arg4[%mul3A_2, %dma_wait3A_52] : memref<532480x128xf32, #tpu.memory_space<hbm>> -> memref<128x128xf32, #tpu.memory_space<hbm>>
    %dma_wait3A_54 = arith.constant 0 : i32
    %dma_wait3A_55 = tpu.memref_slice %arg4[%mul3A_2, %dma_wait3A_54] : memref<532480x128xf32, #tpu.memory_space<hbm>> -> memref<128x128xf32, #tpu.memory_space<hbm>>
    tpu.wait_dma2 semaphore(%arg20 : memref<!tpu.dma_semaphore, #tpu.memory_space<semaphore_mem>>) src(%arg10 : memref<128x128xf32, #tpu.memory_space<vmem>>) dst(%dma_wait3A_55 : memref<128x128xf32, #tpu.memory_space<hbm>>)
    return
  }
}

</mosaic_0001>

<sc_bundles>
// kernel: kernel.3.cloned.1.call-start
scs
__scs_entry_jumppad:
0x0: {  	(pc) =	sbr.rel $0x88, $3  }
0x1: {  	(tag) =	ssettag $0x0;
	lr =	simm.s32 $0x1  }
0x2: {  	[smem:$0x3F9F] =	sst lr;
	_ =	strace $0xD0000000  }
0x3: {  	_ = 	snop  }
0x4: {  	_ = 	snop  }
0x5: {  	_ = 	snop  }
0x6: {  	_ = 	snop  }
0x7: {  	_ = 	snop  }
__scs_overlays_trampoline_lowered:
0x8: {  	[smem:$0x3FAE] =	sst s0  }
0x9: {  	[smem:$0x3FAF] =	sst s1  }
0xa: {  	[smem:$0x3FB0] =	sst s2  }
0xb: {  	[smem:$0x3FB1] =	sst s3  }
0xc: {  	[smem:$0x3FB2] =	sst s4  }
0xd: {  	[smem:$0x3FB3] =	sst s5  }
0xe: {  	[smem:$0x3FB4] =	sst s6  }
0xf: {  	[smem:$0x3FB5] =	sst s7  }
0x10: {  	[smem:$0x3FB6] =	sst s8  }
0x11: {  	[smem:$0x3FB7] =	sst s9;
	s0 =	simm.s32 @!p0 $0x0  }
0x12: {  	s1 =	sld [smem:$0x3F9D];
	s0 =	simm.s32 @p0 $0x1  }
0x13: {  	[smem:$0x3FB8] =	sst s0;
	s0 =	simm.s32 @!p1 $0x0  }
0x14: {  	s2 =	sld [smem:$0x3F9C];
	s0 =	simm.s32 @p1 $0x1  }
0x15: {  	[smem:$0x3FB9] =	sst s0;
	s0 =	simm.s32 @!p2 $0x0  }
0x16: {  	s3 =	sld [smem:$0x3FDB];
	s0 =	simm.s32 @p2 $0x1  }
0x17: {  	s4 =	simm.s32 $0x1BF5;
	[smem:$0x3FBB] =	sst s0  }
0x18: {  	s0 =	sld [smem:$0x3F9E];
	_ =	swait.ge [sflag:s4], $0x0  }
0x19: {  	s7 =	sld [smem:$0x3F9F]  }
0x1a: {  	s8 =	sadd.s32 $0xFFFFE003, lr  }
0x1b: {  	s9 =	sadd.s32 $0xFFFFFEF7, lr;
	s5 =	simm.s32 $0xFFFFFFFF;
	p2 =	slt.u32 s8, $0xFFFFF086  }
0x1c: {  	p1 =	slt.u32 s9, $0xF7A;
	s5 =	simm.s32 @!p2 $0x0  }
0x1d: {  	s5 =	simm.s32 @p1 $0x1;
	p0 =	seq.s32 s7, s2  }
0x1e: {  	s7 =	smul.u32 @!p0 $0xF7A, s2;
	p2 =	seq.s32 @!p0 s5, $0x0  }
0x1f: {  	s9 =	smul.u32 $0xF7A, s1;
	s8 =	simm.s32 @!p0 $0x1BF5;
	p2 =	por !p2, p0  }
0x20: {  	[sflag:s8] =	ssyncset.s32 @!p0 $0xFFFFF086;
	s6 =	sadd.s32 @!p0 s3, s7;
	s7 =	simm.s32 @!p0 $0x108  }
0x21: {  	s3 =	sadd.s32 s3, s9;
	s6 =	sadd.s32 @!p0 $0x88, s6;
	s7 =	simm.s32 @p2 $0x1082  }
0x22: {  	[simem:s7], [sflag:s8] =	dma.local @!p0 [hbm:s6], $0xF7A  }
0x23: {  	s9 =	sor.u32 $0xD0000000, s2;
	s6 =	simm.s32 $0x108;
	_ =	swait.ge @!p0 [sflag:s8], $0x0  }
0x24: {  	s3 =	sadd.s32 $0x88, s3;
	s6 =	simm.s32 @!p1 $0x1082;
	[sflag:s4] =	ssyncset.s32 $0xFFFFF086  }
0x25: {  	[simem:s6], [sflag:s4] =	dma.local [hbm:s3], $0xF7A  }
0x26: {  	[smem:$0x3F9F] =	sst s1;
	(tag) =	ssettag s2;
	_ =	strace s9  }
0x27: {  	s1 =	sld [smem:$0x3FAF]  }
0x28: {  	s2 =	sld [smem:$0x3FB0]  }
0x29: {  	s4 =	sld [smem:$0x3FB2]  }
0x2a: {  	p0 =	seq.s32 s5, $0x0;
	s5 =	sld [smem:$0x3FB3]  }
0x2b: {  	s6 =	sld [smem:$0x3FB4]  }
0x2c: {  	s7 =	sld [smem:$0x3FB5]  }
0x2d: {  	s3 =	simm.s32 $0x108;
	s8 =	sld [smem:$0x3FB6]  }
0x2e: {  	s3 =	simm.s32 @!p0 $0x1082;
	s9 =	sld [smem:$0x3FB7]  }
0x2f: {  	lr =	sadd.s32 s0, s3;
	s0 =	sld [smem:$0x3FAE]  }
0x30: {  	s3 =	sld [smem:$0x3FB1]  }
0x31: {  	[smem:$0x3FBA] =	sst s10  }
0x32: {  	s10 =	sld [smem:$0x3FB8];
	_ =	sdelay $0x3  }
0x33: {  	p0 =	seq.s32 s10, $0x1;
	s10 =	sld [smem:$0x3FBA];
	_ =	sdelay $0x3  }
0x34: {  	[smem:$0x3FBA] =	sst s10  }
0x35: {  	s10 =	sld [smem:$0x3FB9];
	_ =	sdelay $0x3  }
0x36: {  	p1 =	seq.s32 s10, $0x1;
	s10 =	sld [smem:$0x3FBA];
	_ =	sdelay $0x3  }
0x37: {  	[smem:$0x3FBA] =	sst s10  }
0x38: {  	s10 =	sld [smem:$0x3FBB]  }
0x39: {  	_ = 	snop;
	(pc) =	sbr.ind lr, $3  }
0x3a: {  	_ = 	snop  }
0x3b: {  	_ = 	snop  }
0x3c: {  	p2 =	seq.s32 s10, $0x1;
	s10 =	sld [smem:$0x3FBA]  }
0x3d: {  	_ =	shalt  }
0x3e: {  	_ =	shalt  }
0x3f: {  	_ =	shalt  }
0x40: {  	_ =	shalt  }
0x41: {  	_ =	shalt  }
0x42: {  	_ =	shalt  }
0x43: {  	_ =	shalt  }
0x44: {  	_ =	shalt  }
0x45: {  	_ =	shalt  }
0x46: {  	_ =	shalt  }
0x47: {  	_ =	shalt  }
0x48: {  	_ =	shalt  }
0x49: {  	_ =	shalt  }
0x4a: {  	_ =	shalt  }
0x4b: {  	_ =	shalt  }
0x4c: {  	_ =	shalt  }
0x4d: {  	_ =	shalt  }
0x4e: {  	_ =	shalt  }
0x4f: {  	_ =	shalt  }
0x50: {  	_ =	shalt  }
0x51: {  	_ =	shalt  }
0x52: {  	_ =	shalt  }
0x53: {  	_ =	shalt  }
0x54: {  	_ =	shalt  }
0x55: {  	_ =	shalt  }
0x56: {  	_ =	shalt  }
0x57: {  	_ =	shalt  }
0x58: {  	_ =	shalt  }
0x59: {  	_ =	shalt  }
0x5a: {  	_ =	shalt  }
0x5b: {  	_ =	shalt  }
0x5c: {  	_ =	shalt  }
0x5d: {  	_ =	shalt  }
0x5e: {  	_ =	shalt  }
0x5f: {  	_ =	shalt  }
0x60: {  	_ =	shalt  }
0x61: {  	_ =	shalt  }
0x62: {  	_ =	shalt  }
0x63: {  	_ =	shalt  }
0x64: {  	_ =	shalt  }
0x65: {  	_ =	shalt  }
0x66: {  	_ =	shalt  }
0x67: {  	_ =	shalt  }
0x68: {  	_ =	shalt  }
0x69: {  	_ =	shalt  }
0x6a: {  	_ =	shalt  }
0x6b: {  	_ =	shalt  }
0x6c: {  	_ =	shalt  }
0x6d: {  	_ =	shalt  }
0x6e: {  	_ =	shalt  }
0x6f: {  	_ =	shalt  }
0x70: {  	_ =	shalt  }
0x71: {  	_ =	shalt  }
0x72: {  	_ =	shalt  }
0x73: {  	_ =	shalt  }
0x74: {  	_ =	shalt  }
0x75: {  	_ =	shalt  }
0x76: {  	_ =	shalt  }
0x77: {  	_ =	shalt  }
0x78: {  	_ =	shalt  }
0x79: {  	_ =	shalt  }
0x7a: {  	_ =	shalt  }
0x7b: {  	_ =	shalt  }
0x7c: {  	_ =	shalt  }
0x7d: {  	_ =	shalt  }
0x7e: {  	_ =	shalt  }
0x7f: {  	_ =	shalt  }
0x80: {  	_ =	shalt  }
0x81: {  	_ =	shalt  }
0x82: {  	_ =	shalt  }
0x83: {  	_ =	shalt  }
0x84: {  	_ =	shalt  }
0x85: {  	_ =	shalt  }
0x86: {  	_ =	shalt  }
0x87: {  	_ =	shalt  }
.Lfunc_end0:
.L_simem_size_0:
called_computation_lowered:
.L_overlay_start_0:
0x88: {  	s2 =	sld [smem:$0x3FD9]  }
0x89: {  	s3 =	sld [smem:$0x3FFE];
	_ =	sdelay $0x1  }
0x8a: {  	s1 =	srdreg.scid  }
0x8b: {  	s0 =	sand.u32 $0x1, s1  }
0x8c: {  	s17 =	sshll.u32 s0, $0xA;
	s2 =	sadd.s32 s3, s2  }
0x8d: {  	s2 =	sadd.s32 s2, s17  }
0x8e: {  	[smem:$0x3FC6] =	sst s2  }
0x8f: {  	_ = 	snop  }
0x90: {  	s2 =	sld [smem:$0x3FC8]  }
0x91: {  	s18 =	sld [smem:$0x3FD0];
	(tm) =	ssettm $0x1  }
0x92: {  	s4 =	sld [smem:$0x3FFB];
	_ =	sdelay $0x3  }
0x93: {  	_ =	strace s4  }
0x94: {  	s4 =	sld [smem:$0x3FFC];
	_ =	sdelay $0x3  }
0x95: {  	_ =	strace s4  }
0x96: {  	s4 =	sld [smem:$0x3FFD];
	_ =	sdelay $0x3  }
0x97: {  	_ =	strace s4  }
0x98: {  	_ =	strace $0x8FFFFFFF  }
0x99: {  	s19 =	sld [smem:$0x3FDB];
	_ =	sdelay $0x1  }
0x9a: {  	s5 =	simm.s32 $_scs_section_size  }
0x9b: {  	s6 =	simm.s32 $_size__tile_overlayer_lowered;
	s7 =	simm.s32 $_tile_overlayer_lowered  }
0x9c: {  	s22 =	simm.s32 $0x1BFF;
	s21 =	sshll.u32 s7, $0x1;
	s4 =	sadd.s32 s5, s19  }
0x9d: {  	s8 =	simm.s32 $0x0;
	s20 =	sshll.u32 s6, $0x1;
	s6 =	sadd.s32 s21, s4  }
0x9e: {  	[timem:s8], [sflag:s22] =	dma.local [hbm:s6], s20  }
0x9f: {  	_ =	swait.ge [sflag:s22], s20  }
0xa0: {  	s5 =	ssub.s32 $0x0, s20;
	[sflag:s22] =	ssyncset.done $0x0  }
0xa1: {  	[sflag:s22] =	ssyncadd.s32 s5;
	_ =	sdelay $0x1  }
0xa2: {  	s23 =	simm.s32 $0x1B8B  }
0xa3: {  	_ =	swait.ge [sflag:s23], $0x1  }
0xa4: {  	[sflag:s23] =	ssyncset.done $0x0  }
0xa5: {  	s25 =	simm.s32 $0x1B8E;
	s24 =	sld [smem:$0x3FFE];
	[sflag:s23] =	ssyncadd.s32 $0xFFFFFFFF  }
0xa6: {  	s26 =	simm.s32 $execute0_lowered;
	[smem:$0x3FD2] =	sst s25  }
0xa7: {  	s6 =	sshll.u32 s26, $0x1;
	_ =	strace $0x80000046;
	[dreg:$0x1] =	wrdreg $0xFFFFFFFF  }
0xa8: {  	s28 =	simm.s32 $_size_execute0_lowered;
	s4 =	sadd.s32 s4, s6;
	[dreg:$0x0] =	wrdreg $0x0  }
0xa9: {  	s6 =	sshll.u32 s28, $0x1;
	[dreg:$0x2] =	wrdreg s4  }
0xaa: {  	[dreg:$0x3] =	wrdreg s6  }
0xab: {  	[dreg:$0x4] =	wrdreg $0xC0  }
0xac: {  	_ =	task [dreg:s8], $0x5FFFF  }
0xad: {  	[dreg:$0x1] =	wrdreg $0xFFFFFFFF  }
0xae: {  	[dreg:$0x0] =	wrdreg $0x60  }
0xaf: {  	[dreg:$0x2] =	wrdreg s2  }
0xb0: {  	[dreg:$0x3] =	wrdreg s24  }
0xb1: {  	[dreg:$0x4] =	wrdreg s18  }
0xb2: {  	[dreg:$0x5] =	wrdreg $0x184000  }
0xb3: {  	[dreg:$0x6] =	wrdreg $0x9  }
0xb4: {  	_ =	task.clear_ibuf [dreg:s8], $0x7FFFF;
	_ =	strace $0x90000046  }
0xb5: {  	s29 =	simm.s32 $0x9;
	_ =	strace $0x80000048  }
0xb6: {  	_ =	swait.ge [sflag:s29], $0x1  }
0xb7: {  	[sflag:s29] =	ssyncadd.s32 $0xFFFFFFFF  }
0xb8: {  	_ =	strace $0x90000048  }
0xb9: {  	_ =	sfence  }
0xba: {  	s30 =	sld [smem:$0x0];
	_ =	sdelay $0x2  }
0xbb: {  	s31 =	sshll.u32 s1, $0xD;
	s1 =	sshrl.u32 s1, $0x2  }
0xbc: {  	s3 =	sand.u32 $0x4000, s31;
	s1 =	sadd.s32 s1, s30  }
0xbd: {  	s0 =	sor.u32 s3, s0;
	s1 =	sshll.u32 s1, $0x11  }
0xbe: {  	s0 =	sor.u32 s1, s0  }
0xbf: {  	s0 =	sadd.s32 $0x8F2B, s0  }
0xc0: {  	[sflag:s0] =	ssyncadd.remote.s32 $0x1  }
0xc1: {  	_ =	sfence.sel $0xFFFF  }
0xc2: {  	[dreg:$0x0] =	wrdreg $0xFFFFFFFF;
	(pc) =	sbr.abs _section_cstart, $3  }
0xc3: {  	[dreg:$0x1] =	wrdreg $0xFFFFFFFF  }
0xc4: {  	_ =	task.clear_ibuf [dreg:s8], $0x2FFFF;
	_ =	strace $0x9FFFFFFF  }
0xc5: {  	(tm) =	ssettm $0x7FFFFFFF  }
tec
execute0_lowered:
.L_overlay_start_1:
0x0: {  	(tag) =	ssettag $0x1  }
0x1: {  	v0 =	vimm.s32 $0xFEDCBA9;
	v1 =	vlaneseq.u32  }
0x2: {  	v2 =	vimm.s32 $0x87654321;
	v3 =	vimm.s32 $0x10FEDCBA;
	v4 =	vimm.s32 $0x98765432  }
0x3: {  	v5 =	vimm.s32 $0x210FEDCB;
	v6 =	vimm.s32 $0xA9876543;
	v15 =	vimm.s32 $0xEDCBA987  }
0x4: {  	v16 =	vimm.s32 $0xFEDCBA98;
	v17 =	vimm.s32 $0x76543210;
	v0 =	vunpack.c.l.s4.s8 v0  }
0x5: {  	v1 =	vmul.u32 $0x80, v1;
	v2 =	vunpack.c.l.s4.s8 v2;
	v3 =	vunpack.c.l.s4.s8 v3  }
0x6: {  	v4 =	vunpack.c.l.s4.s8 v4;
	v5 =	vunpack.c.l.s4.s8 v5;
	v6 =	vunpack.c.l.s4.s8 v6  }
0x7: {  	v15 =	vunpack.c.l.s4.s8 v15;
	v16 =	vunpack.c.l.s4.s8 v16;
	v0 =	vunpack.c.0.s8.s32 v0  }
0x8: {  	v2 =	vunpack.c.0.s8.s32 v2;
	v3 =	vunpack.c.0.s8.s32 v3;
	v4 =	vunpack.c.0.s8.s32 v4  }
0x9: {  	v9 =	vunpack.c.0.s8.s32 v5;
	v5 =	vimm.s32 $0x3210FEDC;
	v10 =	vunpack.c.0.s8.s32 v6  }
0xa: {  	v6 =	vimm.s32 $0xBA987654;
	v15 =	vunpack.c.0.s8.s32 v15;
	v7 =	vcombine.low v2, v0  }
0xb: {  	v5 =	vunpack.c.l.s4.s8 v5;
	v8 =	vcombine.low v4, v3;
	v11 =	vcombine.low v10, v9  }
0xc: {  	s3 =	srdreg.scid;
	s6 =	stileid.u32;
	v6 =	vunpack.c.l.s4.s8 v6;
	v0 =	vcombine.low v0, v2;
	v2 =	vcombine.low v3, v4  }
0xd: {  	s0 =	rddreg [dreg:$0x1];
	s3 =	sand.u32 $0x1, s3;
	s4 =	sshll.u32 s6, $0x1;
	v3 =	vcombine.low v9, v10;
	v12 =	vunpack.c.0.s8.s32 v5;
	v5 =	vimm.s32 $0x43210FED  }
0xe: {  	s1 =	rddreg [dreg:$0x2];
	s8 =	sor.u32 s3, s4;
	s4 =	simm.s32 $0x0;
	v13 =	vunpack.c.0.s8.s32 v6;
	v6 =	vimm.s32 $0xCBA98765;
	v5 =	vunpack.c.l.s4.s8 v5  }
0xf: {  	[smem:$0x7FF] =	sst s4;
	v27 =	vand.u32 $0xF, v7;
	v22 =	vand.u32 $0xF, v8;
	v6 =	vunpack.c.l.s4.s8 v6  }
0x10: {  	s2 =	rddreg [dreg:$0x3];
	_ =	strace $0x80000047;
	[tilespmem:$0x1FF40] =	vst v1;
	v30 =	vand.u32 $0xF, v11;
	v8 =	vimm.s32 $0x6543210F;
	v10 =	vand.u32 $0xF, v0  }
0x11: {  	v62 =	vand.u32 $0xF, v2;
	v4 =	vcombine.low v12, v13;
	[tilespmem:$0x1FF00] =	vst v22;
	v11 =	vunpack.c.0.s8.s32 v5  }
0x12: {  	[tilespmem:$0x1FF20] =	vst v10;
	v14 =	vunpack.c.0.s8.s32 v6;
	v5 =	vimm.s32 $0x543210FE;
	v6 =	vimm.s32 $0xDCBA9876  }
0x13: {  	v7 =	vcombine.low v13, v12;
	[tilespmem:$0x1FF70] =	vst v62;
	v5 =	vunpack.c.l.s4.s8 v5;
	v6 =	vunpack.c.l.s4.s8 v6  }
0x14: {  	v8 =	vunpack.c.l.s4.s8 v8;
	v12 =	vand.u32 $0xF, v3;
	[tilespmem:$0x1FF80] =	vst v27;
	v13 =	vand.u32 $0xF, v4  }
0x15: {  	[tilespmem:$0x1FF90] =	vst v30;
	v18 =	vunpack.c.0.s8.s32 v5;
	v19 =	vunpack.c.0.s8.s32 v6;
	v6 =	vunpack.c.l.s4.s8 v17  }
0x16: {  	s12 =	simm.s32 $0x18800;
	[tilespmem:$0x1FF60] =	vst v12;
	v5 =	vand.u32 $0xF, v7;
	v7 =	vcombine.low v14, v11;
	v14 =	vcombine.low v11, v14  }
0x17: {  	s15 =	simm.s32 $0x4400;
	s16 =	simm.s32 $0x8400;
	s18 =	simm.s32 $0x10400;
	[tilespmem:$0x1FFB0] =	vst v13;
	v17 =	vunpack.c.0.s8.s32 v8;
	v8 =	vunpack.c.0.s8.s32 v16;
	v16 =	vunpack.c.0.s8.s32 v6  }
0x18: {  	s20 =	simm.s32 $0x14400;
	s21 =	simm.s32 $0x1;
	s22 =	simm.s32 $0x2;
	[tilespmem:$0x1FFE0] =	vst v5;
	v20 =	vcombine.low v19, v18;
	v0 =	vcombine.low v18, v19;
	v14 =	vand.u32 $0xF, v14  }
0x19: {  	s23 =	simm.s32 $0xC400;
	s24 =	simm.s32 $0x3;
	s3 =	ssub.s32 $0x2, s3;
	v21 =	vcombine.low v15, v17;
	v8 =	vand.u32 $0xF, v8;
	v6 =	vand.u32 $0xF, v7;
	[tilespmem:$0x1FF50] =	vst v14  }
0x1a: {  	s25 =	simm.s32 $0x4;
	s7 =	smul.u32 $0x880, s8;
	s9 =	sshrl.u32 s3, $0x1;
	[tilespmem:$0x1FFC0] =	vst v6;
	v7 =	vcombine.low v8, v16;
	v16 =	vcombine.low v17, v15;
	v58 =	vand.u32 $0xF, v0  }
0x1b: {  	s29 =	simm.s32 $0x7;
	p0 =	sne.s32 s6, $0x0;
	s3 =	ssub.s32 s3, s9;
	v9 =	vand.u32 $0xF, v21;
	[tilespmem:$0x1FF30] =	vst v58  }
0x1c: {  	s5 =	smul.u32 $0x4100, s8;
	s0 =	sadd.s32 s7, s0;
	s31 =	smax.u32 s3, $0x1;
	v8 =	vand.u32 $0xF, v20;
	[tilespmem:$0x1FFD0] =	vst v9  }
0x1d: {  	s8 =	smul.u32 $0x208000, s8;
	s0 =	sadd.s32 $0x400, s0;
	[dreg:$0x6] =	wrdreg s31;
	[tilespmem:$0x1FFF0] =	vst v8;
	v0 =	vand.u32 $0xF, v16  }
0x1e: {  	s7 =	sor.u32 $0x80, s5;
	[dreg:$0x5] =	wrdreg s0;
	s0 =	sshrl.u32 @!p0 s2, $0x3;
	[tilespmem:$0x1FFA0] =	vst v0;
	v16 =	vmov v7  }
0x1f: {  	s9 =	sadd.s32 $0x180, s5;
	s3 =	simm.s32 $0x0;
	[dreg:$0x7] =	wrdreg s0;
	v17 =	vmov v22;
	v15 =	vlaneseq.u32;
	v7 =	vmov v0;
	[tilespmem:$0x1FF10] =	vst v16  }
.LBB2_1:
0x20: {  	s6 =	rddreg [dreg:$0x0]  }
0x21: {  	s0 =	simm.s32 @!p0 $0x1C0A;
	s10 =	rddreg [dreg:$0x7]  }
0x22: {  	[spmem:s10], [sflag:s0] =	dma.local @!p0 [hbm:s6], $0x800  }
0x23: {  	s0 =	simm.s32 @!p0 $0xA  }
0x24: {  	_ =	swait.ge @!p0 [sflag:s0], $0x800  }
0x25: {  	[sflag:s0] =	ssyncset.done @!p0 $0x0  }
0x26: {  	s19 =	simm.s32 $0xA;
	[sflag:s0] =	ssyncadd.s32 @!p0 $0xFFFFF800  }
0x27: {  	[tilespmem:s12], [sflag:$0xA] =	stream.linear.gather [hbm4b:s6+s4], $0x4000, $0x38;
	[tilespmem:$0x1C800] =	vst v63  }
0x28: {  	_ =	swait.ge [sflag:s19], $0x4000  }
0x29: {  	[sflag:s19] =	ssyncset.done $0x0  }
0x2a: {  	[sflag:s19] =	ssyncadd.s32 $0xFFFFC000  }
0x2b: {  	[bflag:$0x0] =	sbarrier.arrive $0xFFFF  }
0x2c: {  	s26 =	rddreg [dreg:$0x5]  }
0x2d: {  	[tilespmem:s4], [sflag:$0xA] =	stream.linear.gather [hbm4b:s26+s4], $0x4100, $0x38;
	[tilespmem:$0x1C800] =	vst v63  }
0x2e: {  	_ =	swait.ge [sflag:s19], $0x4100  }
0x2f: {  	[sflag:s19] =	ssyncset.done $0x0  }
0x30: {  	s28 =	simm.s32 $0x80;
	[sflag:s19] =	ssyncadd.s32 $0xFFFFBF00  }
0x31: {  	[tilespmem:s15], [sflag:$0x1] =	stream.indirect.gather [spmem:s2], $0x80, s4, s28, $0xb8;
	[tilespmem:$0x1C800] =	vst v63  }
0x32: {  	_ = 	snop  }
0x33: {  	[tilespmem:s16], [sflag:$0x2] =	stream.indirect.gather [spmem:s2], $0x80, s28, s28, $0xb8;
	[tilespmem:$0x1C800] =	vst v63  }
0x34: {  	s30 =	simm.s32 $0x180  }
0x35: {  	[tilespmem:s18], [sflag:$0x3] =	stream.indirect.gather [spmem:s2], $0x80, s30, s28, $0xb8;
	[tilespmem:$0x1C800] =	vst v63  }
0x36: {  	s31 =	simm.s32 $0x200;
	s17 =	simm.s32 $0x0  }
0x37: {  	[tilespmem:s20], [sflag:$0x4] =	stream.indirect.gather [spmem:s2], $0x80, s31, s28, $0xb8;
	[tilespmem:$0x1C800] =	vst v63  }
.LBB2_2:
0x38: {  	s10 =	smul.u32 $0x5, s17;
	p1 =	seq.s32 s17, $0x0  }
0x39: {  	s0 =	simm.s32 @!p1 $0x9  }
0x3a: {  	s11 =	simm.s32 @!p1 $0x80;
	s19 =	sadd.s32 $0x4, s10;
	_ =	swait.ge @!p1 [sflag:s0], $0x4000  }
0x3b: {  	s26 =	simm.s32 @!p1 $0x14400;
	[sflag:s0] =	ssyncset.done @!p1 $0x0;
	s6 =	sshll.u32 @!p1 s19, $0x7  }
0x3c: {  	[sflag:s0] =	ssyncadd.s32 @!p1 $0xFFFFC000;
	s6 =	sand.u32 @!p1 $0x3FFFFF80, s6;
	s0 =	smul.u32 $0x280, s17  }
0x3d: {  	[tilespmem:s26], [sflag:$0x4] =	stream.indirect.gather @!p1 [spmem:s2], $0x80, s6, s11, $0xb8;
	[tilespmem:$0x1C800] =	vst v63  }
0x3e: {  	_ =	swait.ge [sflag:s21], $0x4000;
	s13 =	sadd.s32 s5, s0  }
0x3f: {  	[sflag:s21] =	ssyncset.done $0x0;
	s6 =	sshll.u32 s13, $0x4  }
0x40: {  	p1 =	seq.s32 s17, $0x19;
	[sflag:s21] =	ssyncadd.s32 $0xFFFFC000;
	s6 =	sadd.s32 s1, s6  }
0x41: {  	[hbm4b:s6+s4] =	stream.linear.scatter [tilespmem:s15], [sflag:$0x5], $0x4000, $0x38;
	[tilespmem:$0x1C800] =	vst v63  }
0x42: {  	s6 =	simm.s32 @!p1 $0x5  }
0x43: {  	s11 =	smul.u32 @!p1 $0xA00, s17;
	_ =	swait.ge @!p1 [sflag:s6], $0x4000  }
0x44: {  	[sflag:s6] =	ssyncset.done @!p1 $0x0  }
0x45: {  	[sflag:s6] =	ssyncadd.s32 @!p1 $0xFFFFC000;
	s6 =	sshra.s32 @!p1 s11, $0x2  }
0x46: {  	s26 =	simm.s32 @!p1 $0x80;
	s28 =	simm.s32 @!p1 $0x4400;
	s11 =	sadd.s32 @!p1 $0x280, s6  }
0x47: {  	[tilespmem:s28], [sflag:$0x1] =	stream.indirect.gather @!p1 [spmem:s2], $0x80, s11, s26, $0xb8;
	[tilespmem:$0x1C800] =	vst v63  }
0x48: {  	s14 =	sadd.s32 s0, s7;
	_ =	swait.ge [sflag:s22], $0x4000  }
0x49: {  	s11 =	sshll.u32 s14, $0x4;
	[sflag:s22] =	ssyncset.done $0x0  }
0x4a: {  	s11 =	sadd.s32 s1, s11;
	[sflag:s22] =	ssyncadd.s32 $0xFFFFC000  }
0x4b: {  	[hbm4b:s11+s4] =	stream.linear.scatter [tilespmem:s16], [sflag:$0x6], $0x4000, $0x38;
	[tilespmem:$0x1C800] =	vst v63  }
0x4c: {  	s11 =	simm.s32 @!p1 $0x6  }
0x4d: {  	_ =	swait.ge @!p1 [sflag:s11], $0x4000  }
0x4e: {  	[sflag:s11] =	ssyncset.done @!p1 $0x0  }
0x4f: {  	s28 =	simm.s32 @!p1 $0x8400;
	[sflag:s11] =	ssyncadd.s32 @!p1 $0xFFFFC000;
	s11 =	sadd.s32 @!p1 $0x300, s6  }
0x50: {  	[tilespmem:s28], [sflag:$0x2] =	stream.indirect.gather @!p1 [spmem:s2], $0x80, s11, s26, $0xb8;
	[tilespmem:$0x1C800] =	vst v63  }
0x51: {  	s10 =	sadd.s32 $0x2, s10;
	s11 =	simm.s32 $0x0  }
0x52: {  	s31 =	sshll.u32 s10, $0x7;
	s30 =	sand.u32 $0x40, s11  }
0x53: {  	v51 =	vor.u32 s31, v15;
	s13 =	sor.u32 $0x30, s30  }
0x54: {  	p2 =	seq.s32 @!p1 s17, $0x0;
	s31 =	sor.u32 $0x10, s30;
	v0 =	vor.u32 s13, v51  }
0x55: {  	p2 =	por p1, !p2;
	s14 =	sor.u32 $0x20, s30;
	v2 =	vor.u32 s31, v51  }
0x56: {  	_ =	swait.ge @p2 [sflag:s29], $0x4000;
	v3 =	vor.u32 s14, v51  }
0x57: {  	[sflag:s29] =	ssyncset.done @p2 $0x0  }
0x58: {  	[sflag:s29] =	ssyncadd.s32 @p2 $0xFFFFC000  }
0x59: {  	v0 =	vld.idx.msk [tilespmem:v0+s4+$0x0], $0xffff  }
0x5a: {  	v2 =	vld.idx.msk [tilespmem:v2+s4+$0x0], $0xffff  }
0x5b: {  	v3 =	vld.idx.msk [tilespmem:v3+s4+$0x0], $0xffff;
	_ =	sdelay $0x1  }
0x5c: {  	s28 =	sand.u32 $0x70, s11;
	v4 =	vor.u32 s30, v51  }
0x5d: {  	v18 =	vor.u32 s28, v15;
	v28 =	vshll.u32 v0, $0x7  }
0x5e: {  	v29 =	vshll.u32 v2, $0x7;
	v0 =	vor.u32 v18, v28  }
0x5f: {  	v26 =	vshll.u32 v3, $0x7;
	v2 =	vor.u32 v18, v29  }
0x60: {  	v19 =	vmov s13;
	v20 =	vor.u32 v18, v26  }
0x61: {  	v21 =	vmov s14;
	v19 =	vshll.u32 v19, $0x7;
	v4 =	vld.idx.msk [tilespmem:v4+s4+$0x0], $0xffff;
	v3 =	vmov s31  }
0x62: {  	v21 =	vshll.u32 v21, $0x7;
	v39 =	vor.u32 v1, v19;
	v3 =	vshll.u32 v3, $0x7  }
0x63: {  	v19 =	vor.u32 s28, v27;
	v32 =	vor.u32 v1, v3;
	v3 =	vor.u32 v18, v39;
	v0 =	vld.idx.msk [tilespmem:v0+s12+$0x0], $0xffff  }
0x64: {  	v44 =	vor.u32 v1, v21;
	v23 =	vor.u32 v19, v28;
	v22 =	vor.u32 v18, v32;
	v2 =	vld.idx.msk [tilespmem:v2+s12+$0x0], $0xffff  }
0x65: {  	v24 =	vor.u32 v18, v44;
	v21 =	vor.u32 v19, v29;
	v20 =	vld.idx.msk [tilespmem:v20+s12+$0x0], $0xffff  }
0x66: {  	v41 =	vshll.u32 v4, $0x7;
	v4 =	vor.u32 v19, v26;
	_ =	sdelay $0x1  }
0x67: {  	v25 =	vor.u32 v18, v41;
	[tilespmem:v3+s23+$0x0] =	vst.idx.msk $0xffff, v0  }
0x68: {  	v0 =	vor.u32 s28, v17;
	[tilespmem:v22+s23+$0x0] =	vst.idx.msk $0xffff, v2;
	v3 =	vor.u32 v19, v39;
	v2 =	vld.idx.msk [tilespmem:v23+s12+$0x0], $0xffff  }
0x69: {  	v31 =	vmov s30;
	[tilespmem:v24+s23+$0x0] =	vst.idx.msk $0xffff, v20;
	v22 =	vor.u32 v0, v28;
	v23 =	vor.u32 v19, v32;
	v21 =	vld.idx.msk [tilespmem:v21+s12+$0x0], $0xffff  }
0x6a: {  	v20 =	vshll.u32 v31, $0x7;
	v24 =	vor.u32 v19, v44;
	v33 =	vor.u32 v0, v29;
	v4 =	vld.idx.msk [tilespmem:v4+s12+$0x0], $0xffff  }
0x6b: {  	v36 =	vor.u32 v1, v20;
	v20 =	vor.u32 v0, v26  }
0x6c: {  	v25 =	vld.idx.msk [tilespmem:v25+s12+$0x0], $0xffff;
	v18 =	vor.u32 v18, v36  }
0x6d: {  	v31 =	vor.u32 v19, v41;
	[tilespmem:v3+s23+$0x0] =	vst.idx.msk $0xffff, v2  }
0x6e: {  	v2 =	vor.u32 v0, v39;
	[tilespmem:v23+s23+$0x0] =	vst.idx.msk $0xffff, v21;
	v3 =	vor.u32 s28, v30;
	v21 =	vld.idx.msk [tilespmem:v22+s12+$0x0], $0xffff  }
0x6f: {  	[tilespmem:v24+s23+$0x0] =	vst.idx.msk $0xffff, v4;
	v22 =	vor.u32 v0, v32;
	v23 =	vld.idx.msk [tilespmem:v33+s12+$0x0], $0xffff;
	v42 =	vor.u32 v3, v28  }
0x70: {  	v4 =	vor.u32 v0, v44;
	v34 =	vor.u32 v3, v29;
	v20 =	vld.idx.msk [tilespmem:v20+s12+$0x0], $0xffff  }
0x71: {  	[tilespmem:v18+s23+$0x0] =	vst.idx.msk $0xffff, v25;
	v18 =	vor.u32 v3, v26  }
0x72: {  	v19 =	vor.u32 v19, v36;
	v24 =	vld.idx.msk [tilespmem:v31+s12+$0x0], $0xffff  }
0x73: {  	v25 =	vor.u32 v0, v41;
	[tilespmem:v2+s23+$0x0] =	vst.idx.msk $0xffff, v21  }
0x74: {  	[tilespmem:v22+s23+$0x0] =	vst.idx.msk $0xffff, v23;
	v2 =	vor.u32 s28, v5;
	v22 =	vor.u32 v3, v39;
	v21 =	vld.idx.msk [tilespmem:v42+s12+$0x0], $0xffff  }
0x75: {  	v23 =	vor.u32 v3, v32;
	[tilespmem:v4+s23+$0x0] =	vst.idx.msk $0xffff, v20;
	v31 =	vld.idx.msk [tilespmem:v34+s12+$0x0], $0xffff;
	v43 =	vor.u32 v2, v28  }
0x76: {  	v4 =	vor.u32 v3, v44;
	v45 =	vor.u32 v2, v29;
	v18 =	vld.idx.msk [tilespmem:v18+s12+$0x0], $0xffff  }
0x77: {  	[tilespmem:v19+s23+$0x0] =	vst.idx.msk $0xffff, v24;
	v19 =	vor.u32 v2, v26  }
0x78: {  	v0 =	vor.u32 v0, v36;
	v20 =	vld.idx.msk [tilespmem:v25+s12+$0x0], $0xffff  }
0x79: {  	v24 =	vor.u32 v3, v41;
	[tilespmem:v22+s23+$0x0] =	vst.idx.msk $0xffff, v21  }
0x7a: {  	[tilespmem:v23+s23+$0x0] =	vst.idx.msk $0xffff, v31;
	v21 =	vor.u32 s28, v6;
	v23 =	vor.u32 v2, v39;
	v22 =	vld.idx.msk [tilespmem:v43+s12+$0x0], $0xffff  }
0x7b: {  	v31 =	vor.u32 v2, v32;
	[tilespmem:v4+s23+$0x0] =	vst.idx.msk $0xffff, v18;
	v25 =	vld.idx.msk [tilespmem:v45+s12+$0x0], $0xffff;
	v46 =	vor.u32 v21, v28  }
0x7c: {  	v4 =	vor.u32 v2, v44;
	v47 =	vor.u32 v21, v29;
	v18 =	vld.idx.msk [tilespmem:v19+s12+$0x0], $0xffff  }
0x7d: {  	[tilespmem:v0+s23+$0x0] =	vst.idx.msk $0xffff, v20;
	v0 =	vor.u32 v21, v26  }
0x7e: {  	v3 =	vor.u32 v3, v36;
	v19 =	vld.idx.msk [tilespmem:v24+s12+$0x0], $0xffff  }
0x7f: {  	v20 =	vor.u32 v2, v41;
	[tilespmem:v23+s23+$0x0] =	vst.idx.msk $0xffff, v22  }
0x80: {  	v24 =	vor.u32 v21, v39;
	[tilespmem:v31+s23+$0x0] =	vst.idx.msk $0xffff, v25;
	v22 =	vor.u32 s28, v8;
	v23 =	vld.idx.msk [tilespmem:v46+s12+$0x0], $0xffff  }
0x81: {  	v31 =	vor.u32 v21, v32;
	[tilespmem:v4+s23+$0x0] =	vst.idx.msk $0xffff, v18;
	v25 =	vld.idx.msk [tilespmem:v47+s12+$0x0], $0xffff;
	v48 =	vor.u32 v22, v28  }
0x82: {  	v37 =	vor.u32 v21, v44;
	v35 =	vor.u32 v22, v29;
	v0 =	vld.idx.msk [tilespmem:v0+s12+$0x0], $0xffff  }
0x83: {  	[tilespmem:v3+s23+$0x0] =	vst.idx.msk $0xffff, v19;
	v3 =	vor.u32 v22, v26;
	_ =	sdelay $0x1  }
0x84: {  	v49 =	vor.u32 s28, v9;
	v2 =	vor.u32 v2, v36;
	v20 =	vld.idx.msk [tilespmem:v20+s12+$0x0], $0xffff;
	[tilespmem:v24+s23+$0x0] =	vst.idx.msk $0xffff, v23  }
0x85: {  	s14 =	simm.s32 $0x40;
	v23 =	vor.u32 v21, v41;
	[tilespmem:v31+s23+$0x0] =	vst.idx.msk $0xffff, v25;
	v25 =	vor.u32 v22, v39;
	v24 =	vld.idx.msk [tilespmem:v48+s12+$0x0], $0xffff  }
0x86: {  	s11 =	sand.u32 $0x40, s14;
	v18 =	vor.u32 v49, v28;
	v50 =	vor.u32 v22, v32;
	[tilespmem:v37+s23+$0x0] =	vst.idx.msk $0xffff, v0;
	v31 =	vld.idx.msk [tilespmem:v35+s12+$0x0], $0xffff  }
0x87: {  	v56 =	vor.u32 s11, v51;
	v0 =	vor.u32 v21, v36;
	v21 =	vor.u32 v22, v44;
	v3 =	vld.idx.msk [tilespmem:v3+s12+$0x0], $0xffff  }
0x88: {  	v34 =	vor.u32 v49, v29  }
0x89: {  	s26 =	sor.u32 $0x10, s11;
	v40 =	vor.u32 v49, v26;
	v47 =	vor.u32 v22, v36;
	[tilespmem:v2+s23+$0x0] =	vst.idx.msk $0xffff, v20  }
0x8a: {  	s31 =	sor.u32 $0x30, s11;
	v2 =	vor.u32 v22, v41;
	v22 =	vor.u32 s26, v51;
	v20 =	vld.idx.msk [tilespmem:v23+s12+$0x0], $0xffff;
	[tilespmem:v25+s23+$0x0] =	vst.idx.msk $0xffff, v24  }
0x8b: {  	v42 =	vor.u32 v49, v39;
	v23 =	vor.u32 s28, v16;
	[tilespmem:v50+s23+$0x0] =	vst.idx.msk $0xffff, v31;
	v24 =	vor.u32 s31, v51;
	v18 =	vld.idx.msk [tilespmem:v18+s12+$0x0], $0xffff  }
0x8c: {  	v43 =	vmov s11;
	s11 =	sor.u32 $0x20, s11;
	v57 =	vor.u32 v23, v28;
	[tilespmem:v21+s23+$0x0] =	vst.idx.msk $0xffff, v3;
	v3 =	vld.idx.msk [tilespmem:v56+s4+$0x0], $0xffff  }
0x8d: {  	v33 =	vor.u32 v49, v41;
	v45 =	vor.u32 v49, v36;
	v59 =	vmov s11;
	v25 =	vld.idx.msk [tilespmem:v34+s12+$0x0], $0xffff  }
0x8e: {  	v4 =	vor.u32 v49, v32;
	v19 =	vor.u32 v49, v44;
	v49 =	vld.idx.msk [tilespmem:v40+s12+$0x0], $0xffff;
	[tilespmem:$0x1FEE0] =	vst v51;
	v51 =	vor.u32 s11, v51  }
0x8f: {  	v63 =	vor.u32 s28, v58;
	v58 =	vmov s26;
	v53 =	vshll.u32 v59, $0x7;
	v22 =	vld.idx.msk [tilespmem:v22+s4+$0x0], $0xffff  }
0x90: {  	v60 =	vmov s31;
	v54 =	vor.u32 v23, v29;
	v55 =	vor.u32 v23, v26;
	v24 =	vld.idx.msk [tilespmem:v24+s4+$0x0], $0xffff;
	[tilespmem:v42+s23+$0x0] =	vst.idx.msk $0xffff, v18  }
0x91: {  	s26 =	simm.s32 $0x8;
	v21 =	vshll.u32 v43, $0x7;
	v43 =	vor.u32 s28, v10;
	v56 =	vor.u32 v23, v39;
	[tilespmem:v0+s23+$0x0] =	vst.idx.msk $0xffff, v20;
	v35 =	vld.idx.msk [tilespmem:v57+s12+$0x0], $0xffff  }
0x92: {  	v37 =	vor.u32 v23, v44;
	v50 =	vshll.u32 v58, $0x7;
	s11 =	sand.u32 $0x70, s26;
	v0 =	vor.u32 v43, v28;
	v2 =	vld.idx.msk [tilespmem:v2+s12+$0x0], $0xffff  }
0x93: {  	v59 =	vor.u32 v23, v41;
	v18 =	vshll.u32 v3, $0x7;
	[tilespmem:v4+s23+$0x0] =	vst.idx.msk $0xffff, v25;
	v25 =	vld.idx.msk [tilespmem:v51+s4+$0x0], $0xffff;
	v57 =	vor.u32 s11, v15  }
0x94: {  	v3 =	vshll.u32 v60, $0x7;
	v20 =	vshll.u32 v22, $0x7;
	v4 =	vor.u32 v57, v18  }
0x95: {  	[tilespmem:v19+s23+$0x0] =	vst.idx.msk $0xffff, v49;
	v49 =	vor.u32 v23, v32;
	v19 =	vld.idx.msk [tilespmem:v54+s12+$0x0], $0xffff;
	v51 =	vor.u32 v57, v20  }
0x96: {  	v42 =	vor.u32 s28, v62;
	v54 =	vor.u32 v23, v36;
	v55 =	vld.idx.msk [tilespmem:v55+s12+$0x0], $0xffff;
	v22 =	vshll.u32 v24, $0x7;
	[tilespmem:v56+s23+$0x0] =	vst.idx.msk $0xffff, v35  }
0x97: {  	[tilespmem:v47+s23+$0x0] =	vst.idx.msk $0xffff, v2;
	v35 =	vor.u32 v57, v22;
	v56 =	vor.u32 v43, v39;
	v0 =	vld.idx.msk [tilespmem:v0+s12+$0x0], $0xffff  }
0x98: {  	v23 =	vor.u32 v1, v21;
	v47 =	vor.u32 v43, v26;
	v21 =	vshll.u32 v25, $0x7;
	v25 =	vld.idx.msk [tilespmem:v33+s12+$0x0], $0xffff  }
0x99: {  	v60 =	vor.u32 v42, v28;
	v24 =	vor.u32 v1, v50;
	v2 =	vld.idx.msk [tilespmem:v4+s12+$0x0], $0xffff;
	v4 =	vor.u32 v57, v23  }
0x9a: {  	v33 =	vor.u32 v43, v29;
	[tilespmem:v49+s23+$0x0] =	vst.idx.msk $0xffff, v19;
	v61 =	vld.idx.msk [tilespmem:v51+s12+$0x0], $0xffff;
	v51 =	vor.u32 v57, v21  }
0x9b: {  	v50 =	vor.u32 v57, v24;
	[tilespmem:v37+s23+$0x0] =	vst.idx.msk $0xffff, v55;
	v37 =	vor.u32 s11, v27;
	v19 =	vor.u32 v1, v3  }
0x9c: {  	v55 =	vor.u32 v42, v39;
	v35 =	vld.idx.msk [tilespmem:v35+s12+$0x0], $0xffff;
	[tilespmem:v56+s23+$0x0] =	vst.idx.msk $0xffff, v0;
	v0 =	vor.u32 v57, v19  }
0x9d: {  	v3 =	vor.u32 v37, v18;
	v47 =	vld.idx.msk [tilespmem:v47+s12+$0x0], $0xffff;
	[tilespmem:v45+s23+$0x0] =	vst.idx.msk $0xffff, v25;
	v56 =	vor.u32 v43, v44  }
0x9e: {  	v25 =	vor.u32 v1, v53;
	[tilespmem:v4+s23+$0x0] =	vst.idx.msk $0xffff, v2;
	v2 =	vor.u32 v37, v20;
	v4 =	vld.idx.msk [tilespmem:v60+s12+$0x0], $0xffff  }
0x9f: {  	v40 =	vor.u32 s28, v12;
	v62 =	vor.u32 v37, v22;
	v57 =	vor.u32 v57, v25;
	v51 =	vld.idx.msk [tilespmem:v51+s12+$0x0], $0xffff  }
0xa0: {  	v33 =	vld.idx.msk [tilespmem:v33+s12+$0x0], $0xffff;
	[tilespmem:v50+s23+$0x0] =	vst.idx.msk $0xffff, v61;
	v61 =	vor.u32 v42, v26;
	v60 =	vor.u32 v43, v32  }
0xa1: {  	v58 =	vor.u32 v40, v28;
	[tilespmem:v0+s23+$0x0] =	vst.idx.msk $0xffff, v35  }
0xa2: {  	v50 =	vor.u32 v42, v29;
	v3 =	vld.idx.msk [tilespmem:v3+s12+$0x0], $0xffff;
	v35 =	vor.u32 v37, v23;
	[tilespmem:v56+s23+$0x0] =	vst.idx.msk $0xffff, v47  }
0xa3: {  	v0 =	vor.u32 s11, v17;
	v2 =	vld.idx.msk [tilespmem:v2+s12+$0x0], $0xffff;
	[tilespmem:v55+s23+$0x0] =	vst.idx.msk $0xffff, v4;
	v55 =	vor.u32 v37, v24  }
0xa4: {  	v56 =	vor.u32 v37, v19;
	[tilespmem:v57+s23+$0x0] =	vst.idx.msk $0xffff, v51;
	v4 =	vor.u32 v37, v21;
	v45 =	vld.idx.msk [tilespmem:v62+s12+$0x0], $0xffff  }
0xa5: {  	v47 =	vor.u32 v0, v18;
	[tilespmem:v60+s23+$0x0] =	vst.idx.msk $0xffff, v33;
	v57 =	vld.idx.msk [tilespmem:v61+s12+$0x0], $0xffff;
	v60 =	vor.u32 v42, v44  }
0xa6: {  	v33 =	vor.u32 v40, v39;
	v53 =	vor.u32 v0, v20;
	v58 =	vld.idx.msk [tilespmem:v58+s12+$0x0], $0xffff  }
0xa7: {  	v11 =	vor.u32 s28, v13;
	v51 =	vor.u32 v0, v22;
	[tilespmem:v35+s23+$0x0] =	vst.idx.msk $0xffff, v3  }
0xa8: {  	v34 =	vor.u32 v11, v28;
	v3 =	vor.u32 v42, v32;
	v35 =	vld.idx.msk [tilespmem:v50+s12+$0x0], $0xffff;
	[tilespmem:v55+s23+$0x0] =	vst.idx.msk $0xffff, v2  }
0xa9: {  	v50 =	vor.u32 v37, v25;
	v2 =	vor.u32 v0, v23;
	v4 =	vld.idx.msk [tilespmem:v4+s12+$0x0], $0xffff;
	[tilespmem:v56+s23+$0x0] =	vst.idx.msk $0xffff, v45  }
0xaa: {  	v55 =	vor.u32 v0, v24;
	v45 =	vor.u32 v40, v29;
	v47 =	vld.idx.msk [tilespmem:v47+s12+$0x0], $0xffff;
	[tilespmem:v60+s23+$0x0] =	vst.idx.msk $0xffff, v57  }
0xab: {  	v52 =	vor.u32 s28, v7;
	v57 =	vor.u32 s11, v30;
	[tilespmem:v33+s23+$0x0] =	vst.idx.msk $0xffff, v58;
	v53 =	vld.idx.msk [tilespmem:v53+s12+$0x0], $0xffff;
	v58 =	vor.u32 v0, v21  }
0xac: {  	v38 =	vor.u32 v63, v28;
	v56 =	vor.u32 v0, v19;
	v51 =	vld.idx.msk [tilespmem:v51+s12+$0x0], $0xffff;
	v60 =	vor.u32 v57, v18  }
0xad: {  	v46 =	vor.u32 v52, v28;
	v59 =	vld.idx.msk [tilespmem:v59+s12+$0x0], $0xffff;
	[tilespmem:v3+s23+$0x0] =	vst.idx.msk $0xffff, v35;
	v3 =	vor.u32 v57, v20  }
0xae: {  	v31 =	vor.u32 v11, v39;
	v0 =	vor.u32 v0, v25;
	v34 =	vld.idx.msk [tilespmem:v34+s12+$0x0], $0xffff;
	[tilespmem:v50+s23+$0x0] =	vst.idx.msk $0xffff, v4  }
0xaf: {  	v4 =	vor.u32 v40, v32;
	v50 =	vor.u32 v57, v22;
	v45 =	vld.idx.msk [tilespmem:v45+s12+$0x0], $0xffff;
	[tilespmem:v2+s23+$0x0] =	vst.idx.msk $0xffff, v47  }
0xb0: {  	v2 =	vor.u32 v43, v41;
	v47 =	vor.u32 v57, v23;
	[tilespmem:v55+s23+$0x0] =	vst.idx.msk $0xffff, v53;
	v55 =	vld.idx.msk [tilespmem:v58+s12+$0x0], $0xffff  }
0xb1: {  	v53 =	vor.u32 s28, v14;
	[tilespmem:v56+s23+$0x0] =	vst.idx.msk $0xffff, v51;
	v56 =	vld.idx.msk [tilespmem:v60+s12+$0x0], $0xffff;
	v58 =	vor.u32 v11, v29  }
0xb2: {  	[tilespmem:v54+s23+$0x0] =	vst.idx.msk $0xffff, v59;
	v54 =	vor.u32 v57, v24;
	v28 =	vor.u32 v53, v28;
	v3 =	vld.idx.msk [tilespmem:v3+s12+$0x0], $0xffff  }
0xb3: {  	v49 =	vor.u32 s11, v9;
	v59 =	vor.u32 s11, v5;
	v51 =	vor.u32 v57, v21;
	[tilespmem:v31+s23+$0x0] =	vst.idx.msk $0xffff, v34  }
0xb4: {  	v61 =	vor.u32 v57, v19;
	v60 =	vor.u32 v59, v18;
	v50 =	vld.idx.msk [tilespmem:v50+s12+$0x0], $0xffff;
	[tilespmem:v4+s23+$0x0] =	vst.idx.msk $0xffff, v45  }
0xb5: {  	v62 =	vor.u32 v59, v20;
	v4 =	vor.u32 v43, v36;
	v2 =	vld.idx.msk [tilespmem:v2+s12+$0x0], $0xffff;
	[tilespmem:v0+s23+$0x0] =	vst.idx.msk $0xffff, v55  }
0xb6: {  	v45 =	vor.u32 v53, v39;
	[tilespmem:v47+s23+$0x0] =	vst.idx.msk $0xffff, v56;
	v55 =	vld.idx.msk [tilespmem:v58+s12+$0x0], $0xffff;
	v56 =	vor.u32 v11, v32  }
0xb7: {  	v47 =	vor.u32 v59, v22;
	v0 =	vld.idx.msk [tilespmem:v28+s12+$0x0], $0xffff;
	v28 =	vor.u32 v49, v23;
	[tilespmem:v54+s23+$0x0] =	vst.idx.msk $0xffff, v3  }
0xb8: {  	v1 =	vor.u32 v53, v29;
	v51 =	vld.idx.msk [tilespmem:v51+s12+$0x0], $0xffff;
	v54 =	vor.u32 v57, v25;
	[tilespmem:$0x1FEF0] =	vst v28  }
0xb9: {  	v3 =	vor.u32 v42, v41;
	[tilespmem:v61+s23+$0x0] =	vst.idx.msk $0xffff, v50;
	v50 =	vor.u32 v59, v23;
	v57 =	vld.idx.msk [tilespmem:v60+s12+$0x0], $0xffff  }
0xba: {  	v60 =	vld.idx.msk [tilespmem:v62+s12+$0x0], $0xffff;
	[tilespmem:v4+s23+$0x0] =	vst.idx.msk $0xffff, v2;
	v2 =	vor.u32 v59, v24;
	v4 =	vor.u32 v42, v36  }
0xbb: {  	v42 =	vor.u32 v59, v21;
	[tilespmem:v56+s23+$0x0] =	vst.idx.msk $0xffff, v55;
	v61 =	vor.u32 v40, v26  }
0xbc: {  	[tilespmem:v45+s23+$0x0] =	vst.idx.msk $0xffff, v0;
	v0 =	vor.u32 s11, v6;
	v45 =	vld.idx.msk [tilespmem:v47+s12+$0x0], $0xffff;
	v47 =	vor.u32 v59, v19  }
0xbd: {  	v38 =	vld.idx.msk [tilespmem:v38+s12+$0x0], $0xffff;
	v56 =	vor.u32 v0, v22;
	[tilespmem:v54+s23+$0x0] =	vst.idx.msk $0xffff, v51  }
0xbe: {  	v55 =	vor.u32 v0, v18;
	v3 =	vld.idx.msk [tilespmem:v3+s12+$0x0], $0xffff;
	[tilespmem:v50+s23+$0x0] =	vst.idx.msk $0xffff, v57  }
0xbf: {  	v50 =	vor.u32 v53, v32;
	v57 =	vld.idx.msk [tilespmem:v1+s12+$0x0], $0xffff;
	[tilespmem:v2+s23+$0x0] =	vst.idx.msk $0xffff, v60;
	v2 =	vor.u32 v40, v41  }
0xc0: {  	v48 =	vor.u32 v63, v29;
	v51 =	vor.u32 v63, v39;
	v54 =	vor.u32 v0, v20;
	v60 =	vld.idx.msk [tilespmem:v42+s12+$0x0], $0xffff  }
0xc1: {  	v37 =	vor.u32 v49, v22;
	v59 =	vor.u32 v59, v25;
	v27 =	vld.idx.msk [tilespmem:v61+s12+$0x0], $0xffff;
	[tilespmem:v47+s23+$0x0] =	vst.idx.msk $0xffff, v45  }
0xc2: {  	v33 =	vor.u32 v49, v24;
	v58 =	vor.u32 v40, v44;
	v42 =	vor.u32 v53, v26;
	v56 =	vld.idx.msk [tilespmem:v56+s12+$0x0], $0xffff  }
0xc3: {  	v45 =	vor.u32 v40, v36;
	[tilespmem:v4+s23+$0x0] =	vst.idx.msk $0xffff, v3;
	v3 =	vor.u32 v0, v23;
	v4 =	vld.idx.msk [tilespmem:v55+s12+$0x0], $0xffff  }
0xc4: {  	v47 =	vor.u32 v53, v41;
	[tilespmem:v50+s23+$0x0] =	vst.idx.msk $0xffff, v57;
	v57 =	vor.u32 v0, v21;
	v2 =	vld.idx.msk [tilespmem:v2+s12+$0x0], $0xffff  }
0xc5: {  	v40 =	vor.u32 v53, v44;
	v54 =	vld.idx.msk [tilespmem:v54+s12+$0x0], $0xffff;
	[tilespmem:v51+s23+$0x0] =	vst.idx.msk $0xffff, v38;
	v55 =	vor.u32 v0, v24  }
0xc6: {  	v51 =	vor.u32 v53, v36;
	v50 =	vor.u32 v0, v19;
	[tilespmem:v59+s23+$0x0] =	vst.idx.msk $0xffff, v60;
	v60 =	vor.u32 s11, v8  }
0xc7: {  	v46 =	vld.idx.msk [tilespmem:v46+s12+$0x0], $0xffff;
	v59 =	vor.u32 v52, v39;
	[tilespmem:v58+s23+$0x0] =	vst.idx.msk $0xffff, v27;
	v53 =	vor.u32 v60, v18  }
0xc8: {  	v48 =	vld.idx.msk [tilespmem:v48+s12+$0x0], $0xffff;
	[tilespmem:v3+s23+$0x0] =	vst.idx.msk $0xffff, v4;
	v3 =	vor.u32 v63, v32;
	v4 =	vor.u32 v60, v20  }
0xc9: {  	v0 =	vor.u32 v0, v25;
	v1 =	vor.u32 v60, v22;
	[tilespmem:v45+s23+$0x0] =	vst.idx.msk $0xffff, v2;
	v45 =	vld.idx.msk [tilespmem:v57+s12+$0x0], $0xffff  }
0xca: {  	v35 =	vor.u32 v49, v21;
	v34 =	vor.u32 v49, v25;
	[tilespmem:v55+s23+$0x0] =	vst.idx.msk $0xffff, v54  }
0xcb: {  	v31 =	vor.u32 v49, v18;
	v43 =	vor.u32 v49, v19;
	v28 =	vmov v52;
	[tilespmem:v50+s23+$0x0] =	vst.idx.msk $0xffff, v56  }
0xcc: {  	v29 =	vor.u32 v28, v29;
	v54 =	vor.u32 v11, v41;
	[tilespmem:v59+s23+$0x0] =	vst.idx.msk $0xffff, v46;
	v62 =	vld.idx.msk [tilespmem:v53+s12+$0x0], $0xffff  }
0xcd: {  	v38 =	vor.u32 v63, v36;
	v39 =	vor.u32 v63, v44;
	v30 =	vld.idx.msk [tilespmem:v4+s12+$0x0], $0xffff;
	[tilespmem:v3+s23+$0x0] =	vst.idx.msk $0xffff, v48  }
0xce: {  	v52 =	vor.u32 v60, v21;
	v61 =	vor.u32 v60, v23;
	v3 =	vld.idx.msk [tilespmem:v1+s12+$0x0], $0xffff;
	[tilespmem:v0+s23+$0x0] =	vst.idx.msk $0xffff, v45  }
0xcf: {  	v55 =	vor.u32 v63, v26;
	v59 =	vor.u32 v11, v26;
	v53 =	vor.u32 v60, v24;
	v1 =	vld [tilespmem:$0x1FF30]  }
0xd0: {  	v2 =	vor.u32 v60, v25;
	v50 =	vor.u32 v28, v32;
	v32 =	vor.u32 v49, v20  }
0xd1: {  	v56 =	vor.u32 v63, v41;
	v49 =	vor.u32 v28, v41;
	v41 =	vor.u32 v28, v36;
	v63 =	vld.idx.msk [tilespmem:v54+s12+$0x0], $0xffff  }
0xd2: {  	v46 =	vor.u32 v28, v44;
	v48 =	vor.u32 v28, v26;
	v26 =	vor.u32 s11, v7;
	v57 =	vld.idx.msk [tilespmem:v29+s12+$0x0], $0xffff  }
0xd3: {  	v0 =	vor.u32 v11, v36;
	v45 =	vor.u32 v60, v19;
	v60 =	vor.u32 v11, v44;
	v4 =	vld.idx.msk [tilespmem:v52+s12+$0x0], $0xffff  }
0xd4: {  	v44 =	vor.u32 v26, v22;
	[tilespmem:v53+s23+$0x0] =	vst.idx.msk $0xffff, v30;
	v53 =	vld.idx.msk [tilespmem:v59+s12+$0x0], $0xffff;
	v27 =	vor.u32 s11, v1  }
0xd5: {  	s30 =	simm.s32 $0x80;
	s28 =	simm.s32 $0x4;
	v30 =	vor.u32 s11, v13;
	v54 =	vld.idx.msk [tilespmem:v32+s12+$0x0], $0xffff;
	v32 =	vor.u32 v27, v20;
	v36 =	vor.u32 v27, v22  }
.LBB2_3:
0xd6: {  	v1 =	vor.u32 v30, v19  }
0xd7: {  	[tilespmem:$0x1FEC0] =	vst v1;
	v1 =	vld [tilespmem:$0x1FEE0];
	_ =	sdelay $0x1  }
0xd8: {  	[tilespmem:$0x1FED0] =	vst v44  }
0xd9: {  	[tilespmem:v45+s23+$0x0] =	vst.idx.msk $0xffff, v3  }
0xda: {  	s14 =	sand.u32 $0x40, s30;
	[tilespmem:v2+s23+$0x0] =	vst.idx.msk $0xffff, v4;
	v28 =	vld [tilespmem:$0x1FF40];
	v52 =	vor.u32 s11, v16  }
0xdb: {  	s31 =	sor.u32 $0x10, s14;
	v37 =	vld.idx.msk [tilespmem:v37+s12+$0x0], $0xffff;
	[tilespmem:v0+s23+$0x0] =	vst.idx.msk $0xffff, v63;
	v0 =	vmov s14;
	v5 =	vor.u32 v52, v25;
	v58 =	vor.u32 s14, v1  }
0xdc: {  	v45 =	vmovc v23;
	s13 =	sor.u32 $0x20, s14;
	v35 =	vld.idx.msk [tilespmem:v35+s12+$0x0], $0xffff;
	[tilespmem:v50+s23+$0x0] =	vst.idx.msk $0xffff, v57;
	v23 =	vshll.u32 v0, $0x7;
	v0 =	vmov s31;
	v6 =	vor.u32 s31, v1  }
0xdd: {  	v44 =	vmovc v25;
	v50 =	vmovc v24;
	[tilespmem:v60+s23+$0x0] =	vst.idx.msk $0xffff, v53;
	v3 =	vld.idx.msk [tilespmem:v47+s12+$0x0], $0xffff;
	v24 =	vshll.u32 v0, $0x7;
	v0 =	vmov s13;
	v25 =	vor.u32 s13, v1;
	s31 =	sor.u32 $0x30, s14  }
0xde: {  	[tilespmem:v33+s23+$0x0] =	vst.idx.msk $0xffff, v54;
	v33 =	vor.u32 v52, v22;
	v54 =	vld.idx.msk [tilespmem:v42+s12+$0x0], $0xffff;
	v2 =	vshll.u32 v0, $0x7;
	v0 =	vmov s31  }
0xdf: {  	v57 =	vor.u32 v52, v20;
	v7 =	vshll.u32 v0, $0x7;
	v0 =	vld [tilespmem:$0x1FF60]  }
0xe0: {  	v4 =	vor.u32 s31, v1;
	v53 =	vld.idx.msk [tilespmem:v58+s4+$0x0], $0xffff  }
0xe1: {  	v8 =	vor.u32 v52, v21;
	[tilespmem:v43+s23+$0x0] =	vst.idx.msk $0xffff, v37;
	v6 =	vld.idx.msk [tilespmem:v6+s4+$0x0], $0xffff  }
0xe2: {  	[tilespmem:v51+s23+$0x0] =	vst.idx.msk $0xffff, v3;
	v3 =	vld.idx.msk [tilespmem:v25+s4+$0x0], $0xffff  }
0xe3: {  	v25 =	vld.idx.msk [tilespmem:v33+s12+$0x0], $0xffff  }
0xe4: {  	[tilespmem:v34+s23+$0x0] =	vst.idx.msk $0xffff, v35;
	v34 =	vld.idx.msk [tilespmem:v57+s12+$0x0], $0xffff  }
0xe5: {  	v37 =	vor.u32 v52, v19;
	v4 =	vld.idx.msk [tilespmem:v4+s4+$0x0], $0xffff  }
0xe6: {  	v43 =	vor.u32 s11, v10;
	v35 =	vor.u32 v52, v50;
	v8 =	vld.idx.msk [tilespmem:v8+s12+$0x0], $0xffff  }
0xe7: {  	s26 =	sadd.s32 $0x8, s26;
	v33 =	vor.u32 v43, v22;
	[tilespmem:v40+s23+$0x0] =	vst.idx.msk $0xffff, v54;
	v56 =	vld.idx.msk [tilespmem:v56+s12+$0x0], $0xffff  }
0xe8: {  	s14 =	sand.u32 $0x70, s26;
	v55 =	vld.idx.msk [tilespmem:v55+s12+$0x0], $0xffff  }
0xe9: {  	v13 =	vor.u32 s14, v15;
	[tilespmem:v61+s23+$0x0] =	vst.idx.msk $0xffff, v62;
	v47 =	vor.u32 s11, v0;
	v0 =	vld [tilespmem:$0x1FF70]  }
0xea: {  	v31 =	vld.idx.msk [tilespmem:v31+s12+$0x0], $0xffff;
	v53 =	vshll.u32 v53, $0x7;
	v54 =	vshll.u32 v6, $0x7;
	v6 =	vor.u32 v43, v21;
	[tilespmem:v37+s23+$0x0] =	vst.idx.msk $0xffff, v25  }
0xeb: {  	v42 =	vor.u32 v52, v18;
	v25 =	vld [tilespmem:$0x1FFD0];
	[tilespmem:v35+s23+$0x0] =	vst.idx.msk $0xffff, v34;
	v15 =	vor.u32 v13, v53  }
0xec: {  	v60 =	vor.u32 v52, v45;
	v16 =	vor.u32 v13, v54;
	v33 =	vld.idx.msk [tilespmem:v33+s12+$0x0], $0xffff;
	[tilespmem:v5+s23+$0x0] =	vst.idx.msk $0xffff, v8  }
0xed: {  	v1 =	vor.u32 s14, v17;
	v52 =	vshll.u32 v3, $0x7;
	v34 =	vor.u32 v43, v19;
	v8 =	vld [tilespmem:$0x1FF80];
	[tilespmem:v39+s23+$0x0] =	vst.idx.msk $0xffff, v55  }
0xee: {  	v17 =	vor.u32 v13, v52;
	v40 =	vshll.u32 v4, $0x7;
	v55 =	vor.u32 v28, v7;
	v7 =	vld.idx.msk [tilespmem:v48+s12+$0x0], $0xffff  }
0xef: {  	v23 =	vor.u32 v28, v23;
	v14 =	vor.u32 v43, v44;
	v4 =	vor.u32 v13, v40;
	v6 =	vld.idx.msk [tilespmem:v6+s12+$0x0], $0xffff  }
0xf0: {  	v24 =	vor.u32 v28, v24;
	v57 =	vor.u32 s14, v25;
	v25 =	vor.u32 v28, v2;
	v2 =	vld.idx.msk [tilespmem:v15+s12+$0x0], $0xffff  }
0xf1: {  	v3 =	vor.u32 v43, v20;
	v5 =	vor.u32 v13, v23;
	v0 =	vor.u32 s11, v0;
	v16 =	vld.idx.msk [tilespmem:v16+s12+$0x0], $0xffff  }
0xf2: {  	v35 =	vor.u32 v13, v24;
	v12 =	vor.u32 v0, v22;
	[tilespmem:v34+s23+$0x0] =	vst.idx.msk $0xffff, v33;
	v34 =	vld [tilespmem:$0x1FEF0]  }
0xf3: {  	v9 =	vor.u32 v0, v21;
	[tilespmem:v38+s23+$0x0] =	vst.idx.msk $0xffff, v56;
	v39 =	vor.u32 v13, v25;
	v17 =	vld.idx.msk [tilespmem:v17+s12+$0x0], $0xffff  }
0xf4: {  	v8 =	vor.u32 s14, v8;
	v13 =	vor.u32 v13, v55;
	v4 =	vld.idx.msk [tilespmem:v4+s12+$0x0], $0xffff;
	[tilespmem:v46+s23+$0x0] =	vst.idx.msk $0xffff, v7  }
0xf5: {  	v38 =	vor.u32 v8, v54;
	[tilespmem:v14+s23+$0x0] =	vst.idx.msk $0xffff, v6  }
0xf6: {  	v62 =	vor.u32 v8, v53;
	v49 =	vld.idx.msk [tilespmem:v49+s12+$0x0], $0xffff;
	[tilespmem:v5+s23+$0x0] =	vst.idx.msk $0xffff, v2  }
0xf7: {  	v10 =	vor.u32 v0, v19;
	v48 =	vor.u32 v8, v40;
	v5 =	vld.idx.msk [tilespmem:v12+s12+$0x0], $0xffff;
	[tilespmem:v35+s23+$0x0] =	vst.idx.msk $0xffff, v16  }
0xf8: {  	v63 =	vor.u32 v47, v22;
	v6 =	vld.idx.msk [tilespmem:v9+s12+$0x0], $0xffff;
	[tilespmem:v39+s23+$0x0] =	vst.idx.msk $0xffff, v17  }
0xf9: {  	v29 =	vor.u32 v43, v50;
	v3 =	vld.idx.msk [tilespmem:v3+s12+$0x0], $0xffff;
	[tilespmem:v13+s23+$0x0] =	vst.idx.msk $0xffff, v4  }
0xfa: {  	v11 =	vor.u32 v0, v20;
	v16 =	vor.u32 v8, v24;
	v38 =	vld.idx.msk [tilespmem:v38+s12+$0x0], $0xffff;
	[tilespmem:v34+s23+$0x0] =	vst.idx.msk $0xffff, v31  }
0xfb: {  	v56 =	vor.u32 v8, v52;
	v12 =	vor.u32 v8, v23;
	v7 =	vld.idx.msk [tilespmem:v62+s12+$0x0], $0xffff;
	[tilespmem:v41+s23+$0x0] =	vst.idx.msk $0xffff, v49  }
0xfc: {  	v13 =	vld.idx.msk [tilespmem:v48+s12+$0x0], $0xffff;
	v41 =	vor.u32 v1, v54;
	[tilespmem:v10+s23+$0x0] =	vst.idx.msk $0xffff, v5;
	v5 =	vor.u32 v57, v23  }
0xfd: {  	v62 =	vor.u32 v8, v25;
	v8 =	vor.u32 v8, v55;
	[tilespmem:$0x1FEF0] =	vst v5;
	v5 =	vld.idx.msk [tilespmem:v63+s12+$0x0], $0xffff  }
0xfe: {  	v46 =	vor.u32 v1, v53;
	[tilespmem:v29+s23+$0x0] =	vst.idx.msk $0xffff, v3;
	v29 =	vld [tilespmem:$0x1FF90]  }
0xff: {  	v11 =	vld.idx.msk [tilespmem:v11+s12+$0x0], $0xffff;
	[tilespmem:v16+s23+$0x0] =	vst.idx.msk $0xffff, v38  }
0x100: {  	v61 =	vor.u32 v1, v40;
	v9 =	vor.u32 v0, v44;
	[tilespmem:v12+s23+$0x0] =	vst.idx.msk $0xffff, v7;
	v7 =	vld.idx.msk [tilespmem:v56+s12+$0x0], $0xffff  }
0x101: {  	v51 =	vor.u32 v47, v19;
	v38 =	vld.idx.msk [tilespmem:v41+s12+$0x0], $0xffff  }
0x102: {  	v59 =	vor.u32 v30, v22;
	v3 =	vor.u32 v0, v50;
	[tilespmem:v8+s23+$0x0] =	vst.idx.msk $0xffff, v13;
	v8 =	vld [tilespmem:$0x1FF50]  }
0x103: {  	v58 =	vor.u32 v1, v55;
	v15 =	vor.u32 v1, v23;
	v17 =	vld.idx.msk [tilespmem:v46+s12+$0x0], $0xffff  }
0x104: {  	v28 =	vor.u32 v1, v24;
	v2 =	vor.u32 v1, v25;
	v12 =	vor.u32 v47, v20;
	v56 =	vld [tilespmem:$0x1FEC0]  }
0x105: {  	v1 =	vor.u32 v1, v52;
	[tilespmem:v9+s23+$0x0] =	vst.idx.msk $0xffff, v6;
	v63 =	vld.idx.msk [tilespmem:v61+s12+$0x0], $0xffff;
	v29 =	vor.u32 s14, v29  }
0x106: {  	v61 =	vld.idx.msk [tilespmem:v42+s12+$0x0], $0xffff;
	[tilespmem:v51+s23+$0x0] =	vst.idx.msk $0xffff, v5;
	v13 =	vor.u32 v29, v53  }
0x107: {  	v39 =	vor.u32 v29, v54;
	[tilespmem:v3+s23+$0x0] =	vst.idx.msk $0xffff, v11;
	v3 =	vld.idx.msk [tilespmem:v59+s12+$0x0], $0xffff;
	v8 =	vor.u32 s11, v8  }
0x108: {  	v9 =	vor.u32 v29, v40;
	[tilespmem:v15+s23+$0x0] =	vst.idx.msk $0xffff, v17;
	v15 =	vor.u32 v8, v22;
	v22 =	vld [tilespmem:$0x1FFE0]  }
0x109: {  	[tilespmem:v62+s23+$0x0] =	vst.idx.msk $0xffff, v7;
	v11 =	vld.idx.msk [tilespmem:v12+s12+$0x0], $0xffff  }
0x10a: {  	v4 =	vor.u32 v43, v18;
	v1 =	vld.idx.msk [tilespmem:v1+s12+$0x0], $0xffff  }
0x10b: {  	v14 =	vor.u32 v47, v50;
	v5 =	vor.u32 v29, v23;
	[tilespmem:v28+s23+$0x0] =	vst.idx.msk $0xffff, v38;
	v13 =	vld.idx.msk [tilespmem:v13+s12+$0x0], $0xffff  }
0x10c: {  	v49 =	vor.u32 v29, v52;
	s11 =	smov.u32 s14;
	v17 =	vor.u32 v30, v20;
	[tilespmem:v58+s23+$0x0] =	vst.idx.msk $0xffff, v63;
	v38 =	vld.idx.msk [tilespmem:v39+s12+$0x0], $0xffff  }
0x10d: {  	v6 =	vor.u32 v29, v25;
	v12 =	vor.u32 v29, v24;
	v9 =	vld.idx.msk [tilespmem:v9+s12+$0x0], $0xffff;
	v28 =	vor.u32 s11, v22  }
0x10e: {  	v29 =	vor.u32 v29, v55;
	[tilespmem:v60+s23+$0x0] =	vst.idx.msk $0xffff, v61;
	v60 =	vld [tilespmem:$0x1FFC0];
	v62 =	vor.u32 v28, v53  }
0x10f: {  	[tilespmem:v56+s23+$0x0] =	vst.idx.msk $0xffff, v3;
	v4 =	vld.idx.msk [tilespmem:v4+s12+$0x0], $0xffff;
	v22 =	vmov v40;
	v63 =	vor.u32 v28, v54  }
0x110: {  	v48 =	vor.u32 v43, v45;
	[tilespmem:v14+s23+$0x0] =	vst.idx.msk $0xffff, v11;
	v11 =	vld.idx.msk [tilespmem:v15+s12+$0x0], $0xffff;
	v56 =	vor.u32 v28, v22  }
0x111: {  	v10 =	vor.u32 v0, v18;
	v14 =	vor.u32 v8, v19;
	[tilespmem:v2+s23+$0x0] =	vst.idx.msk $0xffff, v1;
	v2 =	vld.idx.msk [tilespmem:v17+s12+$0x0], $0xffff  }
0x112: {  	v51 =	vor.u32 v28, v23;
	[tilespmem:v5+s23+$0x0] =	vst.idx.msk $0xffff, v13;
	v5 =	vld.idx.msk [tilespmem:v49+s12+$0x0], $0xffff;
	v13 =	vor.u32 v30, v50  }
0x113: {  	v3 =	vor.u32 v28, v25;
	[tilespmem:v12+s23+$0x0] =	vst.idx.msk $0xffff, v38;
	v12 =	vor.u32 v8, v20;
	v15 =	vld.idx.msk [tilespmem:v62+s12+$0x0], $0xffff  }
0x114: {  	v1 =	vor.u32 v28, v52;
	v61 =	vor.u32 s11, v60;
	[tilespmem:v29+s23+$0x0] =	vst.idx.msk $0xffff, v9;
	v62 =	vld.idx.msk [tilespmem:v63+s12+$0x0], $0xffff  }
0x115: {  	v63 =	vor.u32 v28, v24;
	v56 =	vld.idx.msk [tilespmem:v56+s12+$0x0], $0xffff;
	[tilespmem:v48+s23+$0x0] =	vst.idx.msk $0xffff, v4;
	v28 =	vor.u32 v28, v55  }
0x116: {  	[tilespmem:v14+s23+$0x0] =	vst.idx.msk $0xffff, v11;
	v14 =	vor.u32 v61, v22;
	v10 =	vld.idx.msk [tilespmem:v10+s12+$0x0], $0xffff  }
0x117: {  	v9 =	vor.u32 v27, v19;
	[tilespmem:v13+s23+$0x0] =	vst.idx.msk $0xffff, v2;
	v2 =	vld.idx.msk [tilespmem:v36+s12+$0x0], $0xffff  }
0x118: {  	[tilespmem:v6+s23+$0x0] =	vst.idx.msk $0xffff, v5;
	v12 =	vld.idx.msk [tilespmem:v12+s12+$0x0], $0xffff  }
0x119: {  	v0 =	vor.u32 v0, v45;
	v29 =	vor.u32 v61, v53;
	v1 =	vld.idx.msk [tilespmem:v1+s12+$0x0], $0xffff  }
0x11a: {  	v4 =	vor.u32 v61, v54;
	[tilespmem:v28+s23+$0x0] =	vst.idx.msk $0xffff, v56;
	v28 =	vor.u32 v26, v19;
	v19 =	vld [tilespmem:$0x1FFF0]  }
0x11b: {  	v16 =	vor.u32 v47, v18;
	v17 =	vor.u32 v8, v50;
	v14 =	vld.idx.msk [tilespmem:v14+s12+$0x0], $0xffff  }
0x11c: {  	v33 =	vor.u32 v57, v24;
	[tilespmem:v9+s23+$0x0] =	vst.idx.msk $0xffff, v2;
	v2 =	vld [tilespmem:$0x1FED0]  }
0x11d: {  	v37 =	vor.u32 v57, v40;
	v58 =	vld [tilespmem:$0x1FF30];
	v5 =	vor.u32 v61, v52;
	[tilespmem:v51+s23+$0x0] =	vst.idx.msk $0xffff, v15  }
0x11e: {  	v41 =	vor.u32 v47, v21;
	v11 =	vor.u32 v61, v23;
	[tilespmem:v63+s23+$0x0] =	vst.idx.msk $0xffff, v62;
	v15 =	vld.idx.msk [tilespmem:v29+s12+$0x0], $0xffff  }
0x11f: {  	v35 =	vor.u32 v57, v52;
	v43 =	vor.u32 v57, v55;
	v4 =	vld.idx.msk [tilespmem:v4+s12+$0x0], $0xffff;
	[tilespmem:v0+s23+$0x0] =	vst.idx.msk $0xffff, v10  }
0x120: {  	v56 =	vor.u32 v61, v24;
	v16 =	vld.idx.msk [tilespmem:v16+s12+$0x0], $0xffff;
	[tilespmem:v17+s23+$0x0] =	vst.idx.msk $0xffff, v12;
	v29 =	vor.u32 s11, v19;
	v19 =	vmov v55  }
0x121: {  	[tilespmem:v3+s23+$0x0] =	vst.idx.msk $0xffff, v1;
	v17 =	vld.idx.msk [tilespmem:v32+s12+$0x0], $0xffff;
	v0 =	vor.u32 v29, v54;
	v10 =	vor.u32 v61, v19  }
0x122: {  	v34 =	vor.u32 v57, v25;
	v7 =	vor.u32 v47, v45;
	v5 =	vld.idx.msk [tilespmem:v5+s12+$0x0], $0xffff;
	v9 =	vor.u32 v29, v53  }
0x123: {  	v59 =	vor.u32 v47, v44;
	v13 =	vor.u32 v27, v50;
	[tilespmem:v11+s23+$0x0] =	vst.idx.msk $0xffff, v15;
	v15 =	vld.idx.msk [tilespmem:v41+s12+$0x0], $0xffff  }
0x124: {  	v47 =	vor.u32 v8, v18;
	v42 =	vor.u32 v8, v21;
	v40 =	vor.u32 v8, v44;
	v12 =	vld.idx.msk [tilespmem:v2+s12+$0x0], $0xffff  }
0x125: {  	v6 =	vor.u32 v61, v25;
	v46 =	vor.u32 v29, v22;
	[tilespmem:v56+s23+$0x0] =	vst.idx.msk $0xffff, v4;
	v4 =	vld [tilespmem:$0x1FFA0]  }
0x126: {  	v1 =	vor.u32 v29, v52;
	v11 =	vor.u32 v26, v20;
	v20 =	vld.idx.msk [tilespmem:v0+s12+$0x0], $0xffff;
	[tilespmem:v10+s23+$0x0] =	vst.idx.msk $0xffff, v14  }
0x127: {  	v49 =	vor.u32 v26, v18;
	v48 =	vor.u32 v26, v21;
	v62 =	vld.idx.msk [tilespmem:v9+s12+$0x0], $0xffff;
	[tilespmem:v7+s23+$0x0] =	vst.idx.msk $0xffff, v16  }
0x128: {  	v51 =	vor.u32 v8, v45;
	v8 =	vor.u32 v30, v18;
	v16 =	vld [tilespmem:$0x1FF10];
	[tilespmem:v13+s23+$0x0] =	vst.idx.msk $0xffff, v17  }
0x129: {  	v50 =	vor.u32 v26, v50;
	v41 =	vor.u32 v26, v45;
	v17 =	vld [tilespmem:$0x1FF00];
	[tilespmem:v28+s23+$0x0] =	vst.idx.msk $0xffff, v12  }
0x12a: {  	[tilespmem:v6+s23+$0x0] =	vst.idx.msk $0xffff, v5;
	v9 =	vor.u32 v29, v24;
	v7 =	vor.u32 v30, v21;
	v3 =	vld.idx.msk [tilespmem:v46+s12+$0x0], $0xffff  }
0x12b: {  	s28 =	sadd.s32 $0x4, s28;
	v10 =	vor.u32 v57, v54;
	v46 =	vor.u32 v26, v44;
	v26 =	vor.u32 s11, v4;
	v4 =	vld.idx.msk [tilespmem:v1+s12+$0x0], $0xffff  }
0x12c: {  	p2 =	slt.u32 s28, $0x3C;
	v31 =	vor.u32 v57, v53;
	v39 =	vor.u32 v27, v44;
	v38 =	vor.u32 v27, v45;
	v1 =	vld [tilespmem:$0x1FFB0]  }
.Ltmp0:
0x12d: {  	v60 =	vor.u32 v30, v44;
	v55 =	vor.u32 v27, v21;
	v61 =	vor.u32 v29, v23;
	v63 =	vld.idx.msk [tilespmem:v8+s12+$0x0], $0xffff;
	(pc) =	sbr.rel @p2 .LBB2_3-.Ltmp0, $4  }
0x12e: {  	v56 =	vor.u32 v27, v18;
	v18 =	vmov v53;
	v27 =	vor.u32 s11, v58;
	v57 =	vld.idx.msk [tilespmem:v11+s12+$0x0], $0xffff;
	[tilespmem:v59+s23+$0x0] =	vst.idx.msk $0xffff, v15  }
0x12f: {  	v36 =	vor.u32 v27, v22;
	v2 =	vor.u32 v29, v25;
	[tilespmem:v9+s23+$0x0] =	vst.idx.msk $0xffff, v20;
	v53 =	vld.idx.msk [tilespmem:v7+s12+$0x0], $0xffff  }
0x130: {  	v0 =	vor.u32 v30, v45;
	v45 =	vor.u32 v29, v19;
	v15 =	vlaneseq.u32;
	v20 =	vmovc v54;
	v54 =	vld.idx.msk [tilespmem:v10+s12+$0x0], $0xffff  }
0x131: {  	s30 =	sadd.s32 $0x40, s30;
	v21 =	vmovc v52;
	v44 =	vor.u32 v26, v22;
	v10 =	vld [tilespmem:$0x1FF20];
	v32 =	vor.u32 v27, v20;
	v30 =	vor.u32 s11, v1  }
0x132: {  	_ =	sdelay $0x3  }
0x133: {  	[tilespmem:v45+s23+$0x0] =	vst.idx.msk $0xffff, v3  }
0x134: {  	[tilespmem:v2+s23+$0x0] =	vst.idx.msk $0xffff, v4;
	v3 =	vld.idx.msk [tilespmem:v37+s12+$0x0], $0xffff  }
0x135: {  	v4 =	vld.idx.msk [tilespmem:v35+s12+$0x0], $0xffff;
	_ =	sdelay $0x1  }
0x136: {  	v1 =	vor.u32 s11, v16;
	[tilespmem:v61+s23+$0x0] =	vst.idx.msk $0xffff, v62  }
0x137: {  	v2 =	vor.u32 v1, v22;
	[tilespmem:v33+s23+$0x0] =	vst.idx.msk $0xffff, v54  }
0x138: {  	[tilespmem:v43+s23+$0x0] =	vst.idx.msk $0xffff, v3  }
0x139: {  	[tilespmem:v34+s23+$0x0] =	vst.idx.msk $0xffff, v4  }
0x13a: {  	v5 =	vor.u32 v1, v20;
	v13 =	vld [tilespmem:$0x1FEF0];
	_ =	sdelay $0x1  }
0x13b: {  	v6 =	vor.u32 v1, v21;
	v9 =	vor.u32 v1, v19;
	v3 =	vor.u32 s11, v10;
	v2 =	vld.idx.msk [tilespmem:v2+s12+$0x0], $0xffff  }
0x13c: {  	v7 =	vld.idx.msk [tilespmem:v31+s12+$0x0], $0xffff;
	v4 =	vor.u32 v3, v22  }
0x13d: {  	v8 =	vor.u32 v1, v18  }
0x13e: {  	v5 =	vld.idx.msk [tilespmem:v5+s12+$0x0], $0xffff;
	v10 =	vor.u32 v1, v24;
	_ =	sdelay $0x1  }
0x13f: {  	v6 =	vld.idx.msk [tilespmem:v6+s12+$0x0], $0xffff;
	[tilespmem:v9+s23+$0x0] =	vst.idx.msk $0xffff, v2  }
0x140: {  	v11 =	vor.u32 v1, v25;
	v4 =	vld.idx.msk [tilespmem:v4+s12+$0x0], $0xffff;
	[tilespmem:v13+s23+$0x0] =	vst.idx.msk $0xffff, v7  }
0x141: {  	v1 =	vor.u32 v1, v23;
	v8 =	vld.idx.msk [tilespmem:v8+s12+$0x0], $0xffff  }
0x142: {  	v62 =	vld [tilespmem:$0x1FF70];
	[tilespmem:v10+s23+$0x0] =	vst.idx.msk $0xffff, v5;
	v5 =	vor.u32 v3, v19;
	_ =	sdelay $0x1  }
0x143: {  	v12 =	vor.u32 v3, v20  }
0x144: {  	[tilespmem:v11+s23+$0x0] =	vst.idx.msk $0xffff, v6  }
0x145: {  	v7 =	vor.u32 v3, v21;
	[tilespmem:v1+s23+$0x0] =	vst.idx.msk $0xffff, v8  }
0x146: {  	v13 =	vor.u32 v3, v18;
	v2 =	vor.u32 s11, v62;
	[tilespmem:v5+s23+$0x0] =	vst.idx.msk $0xffff, v4  }
0x147: {  	v9 =	vor.u32 v2, v22;
	v29 =	vld [tilespmem:$0x1FF60]  }
0x148: {  	v6 =	vor.u32 v3, v24;
	v10 =	vld.idx.msk [tilespmem:v12+s12+$0x0], $0xffff;
	_ =	sdelay $0x1  }
0x149: {  	v12 =	vor.u32 v3, v25;
	v7 =	vld.idx.msk [tilespmem:v7+s12+$0x0], $0xffff;
	v11 =	vor.u32 v2, v20  }
0x14a: {  	v3 =	vor.u32 v3, v23;
	v1 =	vor.u32 v2, v21;
	v8 =	vld.idx.msk [tilespmem:v13+s12+$0x0], $0xffff  }
0x14b: {  	v13 =	vor.u32 v2, v18;
	v5 =	vor.u32 v2, v19;
	v4 =	vor.u32 s11, v29;
	v9 =	vld.idx.msk [tilespmem:v9+s12+$0x0], $0xffff  }
0x14c: {  	[tilespmem:v6+s23+$0x0] =	vst.idx.msk $0xffff, v10;
	v6 =	vor.u32 v4, v22;
	_ =	sdelay $0x1  }
0x14d: {  	[tilespmem:v12+s23+$0x0] =	vst.idx.msk $0xffff, v7;
	v7 =	vor.u32 v2, v24;
	v10 =	vld.idx.msk [tilespmem:v11+s12+$0x0], $0xffff  }
0x14e: {  	v1 =	vld.idx.msk [tilespmem:v1+s12+$0x0], $0xffff;
	v11 =	vor.u32 v2, v25;
	[tilespmem:v3+s23+$0x0] =	vst.idx.msk $0xffff, v8  }
0x14f: {  	v2 =	vor.u32 v2, v23;
	v8 =	vld.idx.msk [tilespmem:v13+s12+$0x0], $0xffff;
	[tilespmem:v5+s23+$0x0] =	vst.idx.msk $0xffff, v9  }
0x150: {  	v12 =	vor.u32 v4, v20;
	v5 =	vor.u32 v4, v19;
	v6 =	vld.idx.msk [tilespmem:v6+s12+$0x0], $0xffff  }
0x151: {  	[tilespmem:v0+s23+$0x0] =	vst.idx.msk $0xffff, v63  }
0x152: {  	v3 =	vor.u32 v4, v21;
	[tilespmem:v7+s23+$0x0] =	vst.idx.msk $0xffff, v10  }
0x153: {  	v13 =	vor.u32 v4, v18;
	[tilespmem:v11+s23+$0x0] =	vst.idx.msk $0xffff, v1  }
0x154: {  	[tilespmem:v2+s23+$0x0] =	vst.idx.msk $0xffff, v8  }
0x155: {  	v1 =	vld.idx.msk [tilespmem:v12+s12+$0x0], $0xffff;
	[tilespmem:v5+s23+$0x0] =	vst.idx.msk $0xffff, v6  }
0x156: {  	v7 =	vor.u32 v30, v22;
	v9 =	vor.u32 v4, v24;
	v28 =	vld [tilespmem:$0x1FF50]  }
0x157: {  	v10 =	vor.u32 v4, v25;
	v11 =	vor.u32 v30, v20;
	v2 =	vld.idx.msk [tilespmem:v3+s12+$0x0], $0xffff  }
0x158: {  	v3 =	vor.u32 v4, v23;
	v8 =	vor.u32 v30, v21;
	v4 =	vld.idx.msk [tilespmem:v13+s12+$0x0], $0xffff  }
0x159: {  	v0 =	vor.u32 v30, v18;
	_ =	sdelay $0x1  }
0x15a: {  	v5 =	vor.u32 v30, v19;
	v7 =	vld.idx.msk [tilespmem:v7+s12+$0x0], $0xffff;
	[tilespmem:v9+s23+$0x0] =	vst.idx.msk $0xffff, v1;
	v6 =	vor.u32 s11, v28  }
0x15b: {  	[tilespmem:v10+s23+$0x0] =	vst.idx.msk $0xffff, v2;
	v9 =	vld.idx.msk [tilespmem:v11+s12+$0x0], $0xffff;
	v11 =	vor.u32 v30, v24;
	v1 =	vor.u32 v6, v22  }
0x15c: {  	[tilespmem:v3+s23+$0x0] =	vst.idx.msk $0xffff, v4;
	v3 =	vor.u32 v30, v25;
	v4 =	vld.idx.msk [tilespmem:v8+s12+$0x0], $0xffff;
	v2 =	vor.u32 v6, v20  }
0x15d: {  	[tilespmem:v60+s23+$0x0] =	vst.idx.msk $0xffff, v53;
	v10 =	vor.u32 v30, v23;
	v0 =	vld.idx.msk [tilespmem:v0+s12+$0x0], $0xffff;
	v8 =	vor.u32 v6, v21  }
0x15e: {  	[tilespmem:v50+s23+$0x0] =	vst.idx.msk $0xffff, v57;
	v12 =	vld.idx.msk [tilespmem:v42+s12+$0x0], $0xffff;
	v13 =	vor.u32 v6, v18  }
0x15f: {  	v14 =	vld.idx.msk [tilespmem:v47+s12+$0x0], $0xffff;
	[tilespmem:v5+s23+$0x0] =	vst.idx.msk $0xffff, v7  }
0x160: {  	v5 =	vor.u32 v6, v19;
	[tilespmem:v11+s23+$0x0] =	vst.idx.msk $0xffff, v9;
	v1 =	vld.idx.msk [tilespmem:v1+s12+$0x0], $0xffff  }
0x161: {  	v7 =	vor.u32 v6, v24;
	[tilespmem:v3+s23+$0x0] =	vst.idx.msk $0xffff, v4;
	v2 =	vld.idx.msk [tilespmem:v2+s12+$0x0], $0xffff  }
0x162: {  	v3 =	vor.u32 v6, v25;
	[tilespmem:v10+s23+$0x0] =	vst.idx.msk $0xffff, v0;
	v0 =	vld.idx.msk [tilespmem:v8+s12+$0x0], $0xffff  }
0x163: {  	[tilespmem:v40+s23+$0x0] =	vst.idx.msk $0xffff, v12;
	v4 =	vor.u32 v6, v23;
	v6 =	vor.u32 v27, v21;
	v8 =	vld.idx.msk [tilespmem:v13+s12+$0x0], $0xffff  }
0x164: {  	[tilespmem:v51+s23+$0x0] =	vst.idx.msk $0xffff, v14;
	v10 =	vor.u32 v27, v18;
	v9 =	vld.idx.msk [tilespmem:v55+s12+$0x0], $0xffff  }
0x165: {  	v11 =	vld.idx.msk [tilespmem:v56+s12+$0x0], $0xffff;
	[tilespmem:v5+s23+$0x0] =	vst.idx.msk $0xffff, v1  }
0x166: {  	v1 =	vor.u32 v27, v19;
	[tilespmem:v7+s23+$0x0] =	vst.idx.msk $0xffff, v2;
	v5 =	vld.idx.msk [tilespmem:v36+s12+$0x0], $0xffff  }
0x167: {  	v2 =	vor.u32 v27, v24;
	[tilespmem:v3+s23+$0x0] =	vst.idx.msk $0xffff, v0;
	v7 =	vld.idx.msk [tilespmem:v32+s12+$0x0], $0xffff  }
0x168: {  	v0 =	vor.u32 v27, v25;
	v3 =	vor.u32 v26, v20;
	[tilespmem:v4+s23+$0x0] =	vst.idx.msk $0xffff, v8;
	v4 =	vld.idx.msk [tilespmem:v6+s12+$0x0], $0xffff  }
0x169: {  	[tilespmem:v39+s23+$0x0] =	vst.idx.msk $0xffff, v9;
	v8 =	vor.u32 v26, v21;
	v6 =	vor.u32 v27, v23;
	v9 =	vld.idx.msk [tilespmem:v10+s12+$0x0], $0xffff  }
0x16a: {  	[tilespmem:v38+s23+$0x0] =	vst.idx.msk $0xffff, v11;
	v11 =	vor.u32 v26, v18;
	v10 =	vld.idx.msk [tilespmem:v48+s12+$0x0], $0xffff  }
0x16b: {  	v12 =	vld.idx.msk [tilespmem:v49+s12+$0x0], $0xffff;
	[tilespmem:v1+s23+$0x0] =	vst.idx.msk $0xffff, v5  }
0x16c: {  	v1 =	vor.u32 v26, v19;
	[tilespmem:v2+s23+$0x0] =	vst.idx.msk $0xffff, v7;
	v5 =	vld.idx.msk [tilespmem:v44+s12+$0x0], $0xffff  }
0x16d: {  	v2 =	vor.u32 v26, v24;
	[tilespmem:v0+s23+$0x0] =	vst.idx.msk $0xffff, v4;
	v3 =	vld.idx.msk [tilespmem:v3+s12+$0x0], $0xffff  }
0x16e: {  	v0 =	vor.u32 v26, v25;
	[tilespmem:v6+s23+$0x0] =	vst.idx.msk $0xffff, v9;
	v4 =	vld.idx.msk [tilespmem:v8+s12+$0x0], $0xffff  }
0x16f: {  	[tilespmem:v46+s23+$0x0] =	vst.idx.msk $0xffff, v10;
	v6 =	vor.u32 v26, v23;
	v7 =	vld.idx.msk [tilespmem:v11+s12+$0x0], $0xffff  }
0x170: {  	v10 =	vld [tilespmem:$0x1FF20];
	[tilespmem:v41+s23+$0x0] =	vst.idx.msk $0xffff, v12  }
0x171: {  	s10 =	sshll.u32 s10, $0xE;
	[tilespmem:v1+s23+$0x0] =	vst.idx.msk $0xffff, v5  }
0x172: {  	s10 =	sadd.s32 s8, s10;
	[tilespmem:v2+s23+$0x0] =	vst.idx.msk $0xffff, v3  }
0x173: {  	s10 =	sshrl.u32 s10, $0x3;
	[tilespmem:v0+s23+$0x0] =	vst.idx.msk $0xffff, v4  }
0x174: {  	s10 =	sadd.s32 s1, s10;
	[tilespmem:v6+s23+$0x0] =	vst.idx.msk $0xffff, v7  }
0x175: {  	[hbm4b:s10+s4] =	stream.linear.scatter [tilespmem:s23], [sflag:$0x7], $0x4000, $0x38;
	[tilespmem:$0x1C800] =	vst v63  }
0x176: {  	s0 =	sadd.s32 s0, s9;
	_ =	swait.ge [sflag:s24], $0x4000  }
0x177: {  	s0 =	sshll.u32 s0, $0x4;
	[sflag:s24] =	ssyncset.done $0x0  }
0x178: {  	s0 =	sadd.s32 s1, s0;
	[sflag:s24] =	ssyncadd.s32 $0xFFFFC000  }
0x179: {  	[hbm4b:s0+s4] =	stream.linear.scatter [tilespmem:s18], [sflag:$0x8], $0x4000, $0x38;
	[tilespmem:$0x1C800] =	vst v63  }
0x17a: {  	s0 =	simm.s32 @!p1 $0x8  }
0x17b: {  	_ =	swait.ge @!p1 [sflag:s0], $0x4000  }
0x17c: {  	s10 =	simm.s32 @!p1 $0x10400;
	[sflag:s0] =	ssyncset.done @!p1 $0x0  }
0x17d: {  	[sflag:s0] =	ssyncadd.s32 @!p1 $0xFFFFC000;
	s0 =	sadd.s32 @!p1 $0x400, s6;
	s6 =	simm.s32 @!p1 $0x80  }
0x17e: {  	[tilespmem:s10], [sflag:$0x3] =	stream.indirect.gather @!p1 [spmem:s2], $0x80, s0, s6, $0xb8;
	[tilespmem:$0x1C800] =	vst v63  }
0x17f: {  	_ =	swait.ge [sflag:s25], $0x4000  }
0x180: {  	v1 =	vld [tilespmem:$0x1FF40]  }
0x181: {  	v27 =	vld [tilespmem:$0x1FF80]  }
0x182: {  	s17 =	sadd.s32 $0x1, s17;
	v30 =	vld [tilespmem:$0x1FF90]  }
0x183: {  	p1 =	sne.s32 s17, $0x1A;
	v5 =	vld [tilespmem:$0x1FFE0]  }
.Ltmp1:
0x184: {  	s31 =	sshll.u32 s19, $0xE;
	v6 =	vld [tilespmem:$0x1FFC0];
	(pc) =	sbr.rel @p1 .LBB2_2-.Ltmp1, $4  }
0x185: {  	s0 =	sadd.s32 s8, s31;
	v8 =	vld [tilespmem:$0x1FFF0]  }
0x186: {  	s0 =	sshrl.u32 s0, $0x3;
	[sflag:s25] =	ssyncset.done $0x0;
	v9 =	vld [tilespmem:$0x1FFD0]  }
0x187: {  	s0 =	sadd.s32 s1, s0;
	v13 =	vld [tilespmem:$0x1FFB0];
	[sflag:s25] =	ssyncadd.s32 $0xFFFFC000  }
0x188: {  	v14 =	vmov v28;
	v12 =	vmov v29;
	v7 =	vld [tilespmem:$0x1FFA0];
	[hbm4b:s0+s4] =	stream.linear.scatter [tilespmem:s20], [sflag:$0x9], $0x4000, $0x38  }
0x189: {  	s0 =	simm.s32 $0x5  }
0x18a: {  	_ =	swait.ge [sflag:s0], $0x4000  }
0x18b: {  	[sflag:s0] =	ssyncset.done $0x0  }
0x18c: {  	s28 =	simm.s32 $0x6;
	[sflag:s0] =	ssyncadd.s32 $0xFFFFC000  }
0x18d: {  	_ =	swait.ge [sflag:s28], $0x4000  }
0x18e: {  	[sflag:s28] =	ssyncset.done $0x0  }
0x18f: {  	[sflag:s28] =	ssyncadd.s32 $0xFFFFC000  }
0x190: {  	_ =	swait.ge [sflag:s29], $0x4000  }
0x191: {  	[sflag:s29] =	ssyncset.done $0x0  }
0x192: {  	s30 =	simm.s32 $0x8;
	[sflag:s29] =	ssyncadd.s32 $0xFFFFC000  }
0x193: {  	_ =	swait.ge [sflag:s30], $0x4000  }
0x194: {  	[sflag:s30] =	ssyncset.done $0x0  }
0x195: {  	s6 =	simm.s32 $0x9;
	[sflag:s30] =	ssyncadd.s32 $0xFFFFC000  }
0x196: {  	_ =	swait.ge [sflag:s6], $0x4000  }
0x197: {  	s3 =	sadd.s32 $0x1, s3;
	s31 =	rddreg [dreg:$0x6]  }
0x198: {  	p1 =	sne.s32 s3, s31  }
.Ltmp2:
0x199: {  	_ = 	snop;
	(pc) =	sbr.rel @p1 .LBB2_1-.Ltmp2, $3  }
0x19a: {  	_ =	sdelay $0x1  }
0x19b: {  	[sflag:s6] =	ssyncset.done $0x0  }
0x19c: {  	[sflag:s6] =	ssyncadd.s32 $0xFFFFC000  }
0x19d: {  	_ =	sfence.sel $0x180000  }
0x19e: {  	[bflag:$0x0] =	sbarrier.arrive $0xFFFF  }
0x19f: {  	_ =	strace $0x90000047  }
0x1a0: {  	[bflag:$0x2] =	sbarrier.arrive $0xFFFF  }
0x1a1: {  	s0 =	rddreg [dreg:$0x4]  }
0x1a2: {  	s0 =	sadd.s32 @!p0 $0x100000, s0  }
0x1a3: {  	[sflag:s0] =	ssyncadd.tile.s32 @!p0 $0x1;
	_ =	shalt  }
.Lfunc_end2:
_tile_overlayer_lowered:
.L_overlay_start_2:
0x1a4: {  	(tag) =	ssettag $0x2  }
0x1a5: {  	s0 =	rddreg [dreg:$0x0];
	s2 =	stileid.u32  }
0x1a6: {  	s1 =	rddreg [dreg:$0x1];
	p0 =	sne.s32 s2, $0x0  }
0x1a7: {  	s3 =	rddreg [dreg:$0x2];
	[bflag:$0x3] =	sbarrier.arrive $0xFFFF;
	s2 =	simm.s32 @!p0 $0x1C0A  }
0x1a8: {  	[timem:s3], [sflag:s2] =	dma.local @!p0 [hbm:s0], s1  }
0x1a9: {  	s0 =	simm.s32 @!p0 $0xA  }
0x1aa: {  	_ =	swait.ge @!p0 [sflag:s0], s1  }
0x1ab: {  	s1 =	ssub.s32 @!p0 $0x0, s1;
	[sflag:s0] =	ssyncset.done @!p0 $0x0  }
0x1ac: {  	[sflag:s0] =	ssyncadd.s32 @!p0 s1  }
0x1ad: {  	[bflag:$0x3] =	sbarrier.arrive $0xFFFF  }
0x1ae: {  	_ =	shalt  }

</sc_bundles>
